<compile_context>
chip_gen: v7x
topology: tpu7x:2x2x1
jax: 0.10.2.dev20260603
libtpu: 0.0.44.dev20260713+nightly
codegen_flags: <defaults>
</compile_context>

<pallas_src>
import functools
import math

import jax
import jax.numpy as jnp
from jax import lax
from jax.experimental import pallas as pl
from jax.experimental.pallas import tpu as pltpu
from jax.experimental.pallas import tpu_sc as plsc

SPW = 8
WIN = 256
NWK = 32
CHW = 128


def _attn_window_kernel(N, L, scale, starts_ref, rhs_hbm, lhs_ref, wq_ref,
                        wk_ref, wv_ref, wo_ref, pe_ref, lns_ref, lnb_ref,
                        wproj_ref, bproj_ref, woffid_ref, boffid_ref,
                        whead_ref, bhead_ref, vals_ref, proj_ref, xw_ref,
                        sem):
    w = pl.program_id(0)
    b0 = w * SPW
    s = jnp.minimum((starts_ref[b0] // 8) * 8, N - WIN)
    cp = pltpu.make_async_copy(rhs_hbm.at[pl.ds(s, WIN)], xw_ref, sem)
    cp.start()
    cp.wait()
    xw = xw_ref[...]
    row = lax.broadcasted_iota(jnp.int32, (WIN, 1), 0)
    roww = lax.broadcasted_iota(jnp.int32, (WIN, WIN), 0)
    colw = lax.broadcasted_iota(jnp.int32, (WIN, WIN), 1)
    mask = jnp.zeros((WIN, WIN), jnp.bool_)
    pos = jnp.zeros((WIN, 1), jnp.int32)
    lseg = jnp.zeros((WIN, 1), jnp.int32)
    for g in range(SPW):
        lo = starts_ref[b0 + g] - s
        hi = starts_ref[b0 + g + 1] - s
        rin = (row >= lo) & (row < hi)
        mask = mask | ((roww >= lo) & (roww < hi)
                       & (colw >= lo) & (colw < hi))
        pos = jnp.where(rin, row - lo, pos)
        lseg = jnp.where(rin, g, lseg)
    pos = jnp.minimum(pos, L - 1)
    lane = lax.broadcasted_iota(jnp.int32, (WIN, L), 1)
    oh_pos = (pos == lane).astype(jnp.float32)
    x = xw + jnp.dot(oh_pos, pe_ref[...],
                     preferred_element_type=jnp.float32)
    q = jnp.dot(x, wq_ref[...], preferred_element_type=jnp.float32)
    k = jnp.dot(x, wk_ref[...], preferred_element_type=jnp.float32)
    v = jnp.dot(x, wv_ref[...], preferred_element_type=jnp.float32)
    scores = lax.dot_general(q, k, (((1,), (1,)), ((), ())),
                             preferred_element_type=jnp.float32) * scale
    scores = jnp.where(mask, scores, -1e9)
    m = jnp.max(scores, axis=-1, keepdims=True)
    p = jnp.exp(scores - m)
    attn = p / jnp.sum(p, axis=-1, keepdims=True)
    out = jnp.dot(jnp.dot(attn, v, preferred_element_type=jnp.float32),
                  wo_ref[...], preferred_element_type=jnp.float32)
    h = xw + out
    mu = jnp.mean(h, axis=-1, keepdims=True)
    var = jnp.mean((h - mu) ** 2, axis=-1, keepdims=True)
    y = (h - mu) * lax.rsqrt(var + 1e-5) * lns_ref[...] + lnb_ref[...]
    lhs8 = lhs_ref[...]
    proj8 = jnp.dot(lhs8, wproj_ref[...],
                    preferred_element_type=jnp.float32) + bproj_ref[...]
    proj_ref[...] = proj8
    offid8 = jnp.dot(proj8, woffid_ref[...],
                     preferred_element_type=jnp.float32) + boffid_ref[0, 0]
    gl = lax.broadcasted_iota(jnp.int32, (WIN, SPW), 1)
    oh_seg = (lseg == gl).astype(jnp.float32)
    lhs_g = jnp.dot(oh_seg, lhs8, preferred_element_type=jnp.float32)
    offid_g = jnp.dot(oh_seg, offid8, preferred_element_type=jnp.float32)
    idgnn = (jnp.dot(y, whead_ref[...], preferred_element_type=jnp.float32)
             + bhead_ref[0, 0]
             + jnp.sum(lhs_g * y, axis=-1, keepdims=True)
             + offid_g)
    vals_ref[...] = idgnn


RING = 2
RB = 32


def _logits_kernel(NG, VLG, proj_ref, tab_ref, woffemb_ref, boffemb_ref,
                   out_hbm, bufs, sems):
    g = pl.program_id(0)
    slot = g % RING
    rows = RB * VLG

    chunk = RB * VLG * 128

    @pl.when(g >= RING)
    def _():
        pltpu.make_async_copy(
            bufs.at[slot],
            out_hbm.at[pl.ds(pl.multiple_of((g - RING) * chunk, 512), chunk)],
            sems.at[slot]).wait()

    proj = proj_ref[...]
    logits = lax.dot_general(proj.astype(jnp.bfloat16), tab_ref[...],
                             (((1,), (1,)), ((), ())),
                             preferred_element_type=jnp.float32)
    off = jnp.dot(proj, woffemb_ref[...],
                  preferred_element_type=jnp.float32) + boffemb_ref[0, 0]
    bufs[slot] = (logits + off).reshape(chunk)
    pltpu.make_async_copy(bufs.at[slot], out_hbm.at[pl.ds(g * chunk, chunk)],
                          sems.at[slot]).start()

    @pl.when(g == NG - 1)
    def _():
        for s in range(RING):
            pltpu.make_async_copy(bufs.at[s], out_hbm.at[pl.ds(0, chunk)],
                                  sems.at[s]).wait()


def _sc_scatter_body(nch, emb_ref, src_hbm, dst_hbm, vals_hbm,
                     src_v, dst_v, val_v, sem):
    c = lax.axis_index("c")
    s = lax.axis_index("s")
    wid = s * 2 + c
    pltpu.sync_copy(src_hbm.at[wid], src_v)
    pltpu.sync_copy(dst_hbm.at[wid], dst_v)
    for j in range(nch):
        pltpu.async_copy(vals_hbm.at[src_v.at[j]], val_v.at[j], sem).wait()
        pltpu.sync_copy(val_v.at[j], emb_ref.at[dst_v.at[j]])


def kernel(lhs_embedding, rhs_gnn_embedding, lhs_idgnn_batch,
           rhs_idgnn_index, rhs_table, W_q, W_k, W_v, W_o, pos_emb,
           ln_scale, ln_bias, W_proj, b_proj, W_off_emb, b_off_emb,
           W_off_id, b_off_id, W_head, b_head):
    B, C = lhs_embedding.shape
    N = rhs_gnn_embedding.shape[0]
    V, D = rhs_table.shape
    L = pos_emb.shape[0]
    NWIN = B // SPW

    seg = lhs_idgnn_batch.astype(jnp.int32)
    idx = rhs_idgnn_index.astype(jnp.int32)
    starts = jnp.searchsorted(
        seg, jnp.arange(B + 1, dtype=jnp.int32), side='left'
    ).astype(jnp.int32)

    full = lambda shp: pl.BlockSpec(shp, lambda w: tuple(0 for _ in shp))
    vals, proj = pl.pallas_call(
        functools.partial(_attn_window_kernel, N, L, 1.0 / math.sqrt(C)),
        grid=(NWIN,),
        in_specs=[
            pl.BlockSpec(memory_space=pltpu.SMEM),
            pl.BlockSpec(memory_space=pltpu.HBM),
            pl.BlockSpec((SPW, C), lambda w: (w, 0)),
            full((C, C)), full((C, C)), full((C, C)), full((C, C)),
            full((L, C)),
            full((1, C)), full((1, C)),
            full((C, D)), full((1, D)),
            full((D, 1)), full((1, 1)),
            full((C, 1)), full((1, 1)),
        ],
        out_specs=[
            pl.BlockSpec((WIN, 1), lambda w: (w, 0)),
            pl.BlockSpec((SPW, D), lambda w: (w, 0)),
        ],
        out_shape=[
            jax.ShapeDtypeStruct((NWIN * WIN, 1), jnp.float32),
            jax.ShapeDtypeStruct((B, D), jnp.float32),
        ],
        scratch_shapes=[pltpu.VMEM((WIN, C), jnp.float32),
                        pltpu.SemaphoreType.DMA],
        compiler_params=pltpu.CompilerParams(
            dimension_semantics=("arbitrary",)),
    )(starts, rhs_gnn_embedding, lhs_embedding, W_q, W_k, W_v, W_o,
      pos_emb, ln_scale.reshape(1, C), ln_bias.reshape(1, C), W_proj,
      b_proj.reshape(1, D), W_off_id.reshape(D, 1),
      b_off_id.reshape(1, 1), W_head.reshape(C, 1), b_head.reshape(1, 1))

    VLG = -(-V // 128)
    Vp = VLG * 128
    NG = B // RB
    tab_bf = jnp.pad(rhs_table, ((0, Vp - V), (0, 0))).astype(jnp.bfloat16)
    emb = pl.pallas_call(
        functools.partial(_logits_kernel, NG, VLG),
        grid=(NG,),
        in_specs=[
            pl.BlockSpec((RB, D), lambda g: (g, 0)),
            pl.BlockSpec((Vp, D), lambda g: (0, 0)),
            pl.BlockSpec((D, 1), lambda g: (0, 0)),
            pl.BlockSpec((1, 1), lambda g: (0, 0)),
        ],
        out_specs=pl.BlockSpec(memory_space=pl.ANY),
        out_shape=jax.ShapeDtypeStruct((B * Vp,), jnp.float32),
        scratch_shapes=[pltpu.VMEM((RING, RB * Vp), jnp.float32),
                        pltpu.SemaphoreType.DMA((RING,))],
        compiler_params=pltpu.CompilerParams(
            dimension_semantics=("arbitrary",),
            vmem_limit_bytes=110 * 1024 * 1024),
    )(proj, tab_bf, W_off_emb.reshape(D, 1), b_off_emb.reshape(1, 1))

    n = jnp.arange(N, dtype=jnp.int32)
    w_of = seg // SPW
    ws = jnp.minimum((starts[w_of * SPW] // 8) * 8, N - WIN)
    src = w_of * WIN + n - ws
    dst = seg * Vp + idx
    NE = -(-N // (NWK * CHW)) * (NWK * CHW)
    if NE != N:
        pad = NE - N
        src = jnp.concatenate([src, jnp.broadcast_to(src[0], (pad,))])
        dst = jnp.concatenate([dst, jnp.broadcast_to(dst[0], (pad,))])
    NCH = NE // (NWK * CHW)
    src3 = src.reshape(NWK, NCH, CHW)
    dst3 = dst.reshape(NWK, NCH, CHW)

    scatter = pl.kernel(
        functools.partial(_sc_scatter_body, NCH),
        out_type=(),
        mesh=plsc.VectorSubcoreMesh(core_axis_name="c",
                                    subcore_axis_name="s", num_cores=2,
                                    num_subcores=16),
        scratch_types=[
            pltpu.VMEM((NCH, CHW), jnp.int32),
            pltpu.VMEM((NCH, CHW), jnp.int32),
            pltpu.VMEM((NCH, CHW), jnp.float32),
            pltpu.SemaphoreType.DMA,
        ],
        compiler_params=pltpu.CompilerParams(needs_layout_passes=False),
    )
    emb_ref = jax.new_ref(emb)
    scatter(emb_ref, src3, dst3, vals.reshape(-1))
    return emb_ref[...].reshape(B, Vp)[:, :V]

# --- scband reference (transcript-rebuilt; emitter-appended) ---
"""Pipeline reference for scband-hybrid-rhstransformer-60060822667344 (READ-ONLY COPY).

The authoritative reference and input builder live on the scoring server;
editing this copy changes nothing except your own understanding.
"""

import jax, jax.numpy as jnp
import numpy as np

B = 1024
N = 20480
C = 128
D = 16
V = 100000
L = 128


def setup_inputs(seed: int = 0) -> dict:
    key = jax.random.key(seed)
    ks = jax.random.split(key, 24)
    s = 0.02
    inp = {}
    inp['lhs_embedding'] = jax.random.normal(ks[0], (B, C), jnp.float32)
    inp['rhs_gnn_embedding'] = jax.random.normal(ks[1], (N, C), jnp.float32)
    inp['lhs_idgnn_batch'] = jnp.sort(jax.random.randint(ks[2], (N,), 0, B))
    inp['rhs_idgnn_index'] = jax.random.randint(ks[3], (N,), 0, V)
    inp['rhs_table'] = jax.random.normal(ks[4], (V, D), jnp.float32) * s
    inp['W_q'] = jax.random.normal(ks[5], (C, C), jnp.float32) * (C ** -0.5)
    inp['W_k'] = jax.random.normal(ks[6], (C, C), jnp.float32) * (C ** -0.5)
    inp['W_v'] = jax.random.normal(ks[7], (C, C), jnp.float32) * (C ** -0.5)
    inp['W_o'] = jax.random.normal(ks[8], (C, C), jnp.float32) * (C ** -0.5)
    inp['pos_emb'] = jax.random.normal(ks[9], (L, C), jnp.float32) * s
    inp['ln_scale'] = jnp.ones((C,), jnp.float32)
    inp['ln_bias'] = jnp.zeros((C,), jnp.float32)
    inp['W_proj'] = jax.random.normal(ks[10], (C, D), jnp.float32) * (C ** -0.5)
    inp['b_proj'] = jnp.zeros((D,), jnp.float32)
    inp['W_off_emb'] = jax.random.normal(ks[11], (D,), jnp.float32) * (D ** -0.5)
    inp['b_off_emb'] = jnp.zeros((), jnp.float32)
    inp['W_off_id'] = jax.random.normal(ks[12], (D,), jnp.float32) * (D ** -0.5)
    inp['b_off_id'] = jnp.zeros((), jnp.float32)
    inp['W_head'] = jax.random.normal(ks[13], (C,), jnp.float32) * (C ** -0.5)
    inp['b_head'] = jnp.zeros((), jnp.float32)
    return inp


def _layernorm(x, scale, bias):
    m = x.mean(-1, keepdims=True)
    v = x.var(-1, keepdims=True)
    return (x - m) / jnp.sqrt(v + 1e-5) * scale + bias


def _forward(lhs, rhs, seg, idx, rhs_table, W_q, W_k, W_v, W_o, pos_emb,
             ln_scale, ln_bias, W_proj, b_proj, W_off_emb, b_off_emb,
             W_off_id, b_off_id, W_head, b_head):
    # --- RHSTransformer: per-seed-segment self-attention over RHS nodes ---
    counts = jnp.bincount(seg, length=B)
    starts = jnp.cumsum(counts) - counts
    pos = jnp.minimum(jnp.arange(N) - starts[seg], L - 1)
    x = rhs + pos_emb[pos]  # abs positional encoding within segment
    padded = jnp.zeros((B, L, C), x.dtype).at[seg, pos].set(x)
    mask = jnp.zeros((B, L), dtype=bool).at[seg, pos].set(True)
    q = padded @ W_q
    k = padded @ W_k
    v = padded @ W_v
    scores = jnp.einsum('bld,bmd->blm', q, k) / np.sqrt(C)
    scores = jnp.where(mask[:, None, :], scores, -1e9)
    attn = jax.nn.softmax(scores, axis=-1)
    out = jnp.einsum('blm,bmd->bld', attn, v) @ W_o
    rhs_t = _layernorm(rhs + out[seg, pos], ln_scale, ln_bias)
    # --- two-tower logits ---
    lhs_proj = lhs @ W_proj + b_proj
    embgnn_logits = lhs_proj @ rhs_table.T  # [B, V]
    embgnn_offset = lhs_proj @ W_off_emb + b_off_emb
    embgnn_logits = embgnn_logits + embgnn_offset[:, None]
    # --- ID-GNN logits on sampled RHS nodes ---
    idgnn_logits = rhs_t @ W_head + b_head
    idgnn_logits = idgnn_logits + (lhs[seg] * rhs_t).sum(axis=-1)
    idgnn_offset = lhs_proj @ W_off_id + b_off_id
    idgnn_logits = idgnn_logits + idgnn_offset[seg]
    # overwrite sampled entries
    embgnn_logits = embgnn_logits.at[seg, idx].set(idgnn_logits)
    return embgnn_logits


def reference(lhs_embedding, rhs_gnn_embedding, lhs_idgnn_batch, rhs_idgnn_index,
              rhs_table, W_q, W_k, W_v, W_o, pos_emb, ln_scale, ln_bias,
              W_proj, b_proj, W_off_emb, b_off_emb, W_off_id, b_off_id,
              W_head, b_head):
    return _forward(lhs_embedding, rhs_gnn_embedding, lhs_idgnn_batch,
                    rhs_idgnn_index, rhs_table, W_q, W_k, W_v, W_o, pos_emb,
                    ln_scale, ln_bias, W_proj, b_proj, W_off_emb, b_off_emb,
                    W_off_id, b_off_id, W_head, b_head)

if __name__ == "__main__":
    import jax
    _d = setup_inputs()
    print(jax.jit(kernel)(*tuple(_d.values())))

</pallas_src>

<mosaic_0001>
#map = affine_map<(d0, d1) -> (0)>
#map1 = affine_map<(d0, d1) -> (0, 0, 0)>
module attributes {stable_mosaic.version = 14 : i64} {
  func.func @new_body(%arg0: i32, %arg1: i32, %arg2: memref<102498304xf32, #tpu.memory_space<hbm>>, %arg3: memref<32x5x128xi32, #tpu.memory_space<hbm>>, %arg4: memref<32x5x128xi32, #tpu.memory_space<hbm>>, %arg5: memref<32768xf32, #tpu.memory_space<hbm>>, %arg6: memref<102498304xf32, #tpu.memory_space<hbm>>, %arg7: memref<5x128xi32, #tpu.memory_space<vmem>>, %arg8: memref<5x128xi32, #tpu.memory_space<vmem>>, %arg9: memref<5x128xf32, #tpu.memory_space<vmem>>, %arg10: memref<!tpu.dma_semaphore, #tpu.memory_space<semaphore_mem>>) attributes {dimension_semantics = [#tpu.dimension_semantics<core_parallel>, #tpu.dimension_semantics<subcore_parallel>], iteration_bounds = array<i64: 2, 16>, scalar_prefetch = 0 : i64, scratch_operands = 4 : i64, tpu.core_type = #tpu.core_type<sc_vector_subcore>, window_params = [{transform_indices = #map}, {transform_indices = #map1}, {transform_indices = #map1}, {transform_indices = #map}, {transform_indices = #map}]} {
    %mul3A = arith.constant 2 : i32
    %mul3A_0 = arith.muli %arg1, %mul3A : i32
    %add3A = arith.addi %mul3A_0, %arg0 : i32
    "tpu.region"() ({
      %run_scoped3A_108 = tpu.sem_alloc : memref<!tpu.dma_semaphore, #tpu.memory_space<semaphore_mem>>
      %dma_start3A_109 = arith.constant 0 : i32
      %dma_start3A_110 = arith.constant 0 : i32
      %dma_start3A_111 = tpu.memref_slice %arg3[%add3A, %dma_start3A_109, %dma_start3A_110] : memref<32x5x128xi32, #tpu.memory_space<hbm>> -> memref<1x5x128xi32, #tpu.memory_space<hbm>>
      %dma_start3A_112 = tpu.memref_squeeze %dma_start3A_111 : memref<1x5x128xi32, #tpu.memory_space<hbm>> -> memref<5x128xi32, #tpu.memory_space<hbm>>
      %dma_start3A_113 = arith.constant 0 : i32
      %dma_start3A_114 = arith.constant 0 : i32
      %dma_start3A_115 = tpu.memref_slice %arg3[%add3A, %dma_start3A_113, %dma_start3A_114] : memref<32x5x128xi32, #tpu.memory_space<hbm>> -> memref<1x5x128xi32, #tpu.memory_space<hbm>>
      %dma_start3A_116 = tpu.memref_squeeze %dma_start3A_115 : memref<1x5x128xi32, #tpu.memory_space<hbm>> -> memref<5x128xi32, #tpu.memory_space<hbm>>
      tpu.enqueue_dma source(%dma_start3A_116 : memref<5x128xi32, #tpu.memory_space<hbm>>) target(%arg7 : memref<5x128xi32, #tpu.memory_space<vmem>>) target_semaphore(%run_scoped3A_108 : memref<!tpu.dma_semaphore, #tpu.memory_space<semaphore_mem>>)
      %dma_wait3A_117 = arith.constant 0 : i32
      %dma_wait3A_118 = arith.constant 0 : i32
      %dma_wait3A_119 = tpu.memref_slice %arg3[%add3A, %dma_wait3A_117, %dma_wait3A_118] : memref<32x5x128xi32, #tpu.memory_space<hbm>> -> memref<1x5x128xi32, #tpu.memory_space<hbm>>
      %dma_wait3A_120 = tpu.memref_squeeze %dma_wait3A_119 : memref<1x5x128xi32, #tpu.memory_space<hbm>> -> memref<5x128xi32, #tpu.memory_space<hbm>>
      %dma_wait3A_121 = arith.constant 0 : i32
      %dma_wait3A_122 = arith.constant 0 : i32
      %dma_wait3A_123 = tpu.memref_slice %arg3[%add3A, %dma_wait3A_121, %dma_wait3A_122] : memref<32x5x128xi32, #tpu.memory_space<hbm>> -> memref<1x5x128xi32, #tpu.memory_space<hbm>>
      %dma_wait3A_124 = tpu.memref_squeeze %dma_wait3A_123 : memref<1x5x128xi32, #tpu.memory_space<hbm>> -> memref<5x128xi32, #tpu.memory_space<hbm>>
      tpu.wait_dma2 semaphore(%run_scoped3A_108 : memref<!tpu.dma_semaphore, #tpu.memory_space<semaphore_mem>>) src(%dma_wait3A_124 : memref<5x128xi32, #tpu.memory_space<hbm>>) dst(%arg7 : memref<5x128xi32, #tpu.memory_space<vmem>>)
      tpu.yield
    }) : () -> ()
    "tpu.region"() ({
      %run_scoped3A_108 = tpu.sem_alloc : memref<!tpu.dma_semaphore, #tpu.memory_space<semaphore_mem>>
      %dma_start3A_109 = arith.constant 0 : i32
      %dma_start3A_110 = arith.constant 0 : i32
      %dma_start3A_111 = tpu.memref_slice %arg4[%add3A, %dma_start3A_109, %dma_start3A_110] : memref<32x5x128xi32, #tpu.memory_space<hbm>> -> memref<1x5x128xi32, #tpu.memory_space<hbm>>
      %dma_start3A_112 = tpu.memref_squeeze %dma_start3A_111 : memref<1x5x128xi32, #tpu.memory_space<hbm>> -> memref<5x128xi32, #tpu.memory_space<hbm>>
      %dma_start3A_113 = arith.constant 0 : i32
      %dma_start3A_114 = arith.constant 0 : i32
      %dma_start3A_115 = tpu.memref_slice %arg4[%add3A, %dma_start3A_113, %dma_start3A_114] : memref<32x5x128xi32, #tpu.memory_space<hbm>> -> memref<1x5x128xi32, #tpu.memory_space<hbm>>
      %dma_start3A_116 = tpu.memref_squeeze %dma_start3A_115 : memref<1x5x128xi32, #tpu.memory_space<hbm>> -> memref<5x128xi32, #tpu.memory_space<hbm>>
      tpu.enqueue_dma source(%dma_start3A_116 : memref<5x128xi32, #tpu.memory_space<hbm>>) target(%arg8 : memref<5x128xi32, #tpu.memory_space<vmem>>) target_semaphore(%run_scoped3A_108 : memref<!tpu.dma_semaphore, #tpu.memory_space<semaphore_mem>>)
      %dma_wait3A_117 = arith.constant 0 : i32
      %dma_wait3A_118 = arith.constant 0 : i32
      %dma_wait3A_119 = tpu.memref_slice %arg4[%add3A, %dma_wait3A_117, %dma_wait3A_118] : memref<32x5x128xi32, #tpu.memory_space<hbm>> -> memref<1x5x128xi32, #tpu.memory_space<hbm>>
      %dma_wait3A_120 = tpu.memref_squeeze %dma_wait3A_119 : memref<1x5x128xi32, #tpu.memory_space<hbm>> -> memref<5x128xi32, #tpu.memory_space<hbm>>
      %dma_wait3A_121 = arith.constant 0 : i32
      %dma_wait3A_122 = arith.constant 0 : i32
      %dma_wait3A_123 = tpu.memref_slice %arg4[%add3A, %dma_wait3A_121, %dma_wait3A_122] : memref<32x5x128xi32, #tpu.memory_space<hbm>> -> memref<1x5x128xi32, #tpu.memory_space<hbm>>
      %dma_wait3A_124 = tpu.memref_squeeze %dma_wait3A_123 : memref<1x5x128xi32, #tpu.memory_space<hbm>> -> memref<5x128xi32, #tpu.memory_space<hbm>>
      tpu.wait_dma2 semaphore(%run_scoped3A_108 : memref<!tpu.dma_semaphore, #tpu.memory_space<semaphore_mem>>) src(%dma_wait3A_124 : memref<5x128xi32, #tpu.memory_space<hbm>>) dst(%arg8 : memref<5x128xi32, #tpu.memory_space<vmem>>)
      tpu.yield
    }) : () -> ()
    %dma_start3A = arith.constant 0 : i32
    %dma_start3A_1 = arith.constant 0 : i32
    %dma_start3A_2 = arith.constant 0 : i32
    %dma_start3A_3 = tpu.memref_slice %arg9[%dma_start3A_1, %dma_start3A_2] : memref<5x128xf32, #tpu.memory_space<vmem>> -> memref<1x128xf32, #tpu.memory_space<vmem>>
    %dma_start3A_4 = tpu.memref_squeeze %dma_start3A_3 : memref<1x128xf32, #tpu.memory_space<vmem>> -> memref<128xf32, #tpu.memory_space<vmem>>
    %dma_start3A_5 = arith.constant 0 : i32
    %dma_start3A_6 = tpu.memref_slice %arg7[%dma_start3A, %dma_start3A_5] : memref<5x128xi32, #tpu.memory_space<vmem>> -> memref<1x128xi32, #tpu.memory_space<vmem>>
    %dma_start3A_7 = tpu.memref_squeeze %dma_start3A_6 : memref<1x128xi32, #tpu.memory_space<vmem>> -> memref<128xi32, #tpu.memory_space<vmem>>
    %dma_start3A_8 = arith.constant 0 : i32
    %dma_start3A_9 = tpu.memref_slice %arg5[%dma_start3A_8] : memref<32768xf32, #tpu.memory_space<hbm>> -> memref<32768xf32, #tpu.memory_space<hbm>>
    tpu.enqueue_indirect_dma source(%dma_start3A_9 : memref<32768xf32, #tpu.memory_space<hbm>>) target(%dma_start3A_4 : memref<128xf32, #tpu.memory_space<vmem>>) offsets(%dma_start3A_7 : memref<128xi32, #tpu.memory_space<vmem>>) semaphore(%arg10 : memref<!tpu.dma_semaphore, #tpu.memory_space<semaphore_mem>>)
    %dma_wait3A = arith.constant 0 : i32
    %dma_wait3A_10 = arith.constant 0 : i32
    %dma_wait3A_11 = arith.constant 0 : i32
    %dma_wait3A_12 = tpu.memref_slice %arg9[%dma_wait3A_10, %dma_wait3A_11] : memref<5x128xf32, #tpu.memory_space<vmem>> -> memref<1x128xf32, #tpu.memory_space<vmem>>
    %dma_wait3A_13 = tpu.memref_squeeze %dma_wait3A_12 : memref<1x128xf32, #tpu.memory_space<vmem>> -> memref<128xf32, #tpu.memory_space<vmem>>
    %dma_wait3A_14 = arith.constant 0 : i32
    %dma_wait3A_15 = tpu.memref_slice %arg7[%dma_wait3A, %dma_wait3A_14] : memref<5x128xi32, #tpu.memory_space<vmem>> -> memref<1x128xi32, #tpu.memory_space<vmem>>
    %dma_wait3A_16 = tpu.memref_squeeze %dma_wait3A_15 : memref<1x128xi32, #tpu.memory_space<vmem>> -> memref<128xi32, #tpu.memory_space<vmem>>
    %dma_wait3A_17 = arith.constant 0 : i32
    %dma_wait3A_18 = tpu.memref_slice %arg5[%dma_wait3A_17] : memref<32768xf32, #tpu.memory_space<hbm>> -> memref<32768xf32, #tpu.memory_space<hbm>>
    tpu.wait_indirect_dma semaphore(%arg10 : memref<!tpu.dma_semaphore, #tpu.memory_space<semaphore_mem>>) src(%dma_wait3A_18 : memref<32768xf32, #tpu.memory_space<hbm>>) dst(%dma_wait3A_13 : memref<128xf32, #tpu.memory_space<vmem>>)
    %run_scoped3A = arith.constant 0 : i32
    %run_scoped3A_19 = arith.constant 0 : i32
    "tpu.region"() ({
      %run_scoped3A_108 = tpu.sem_alloc : memref<!tpu.dma_semaphore, #tpu.memory_space<semaphore_mem>>
      %dma_start3A_109 = arith.constant 0 : i32
      %dma_start3A_110 = tpu.memref_slice %arg9[%run_scoped3A, %dma_start3A_109] : memref<5x128xf32, #tpu.memory_space<vmem>> -> memref<1x128xf32, #tpu.memory_space<vmem>>
      %dma_start3A_111 = tpu.memref_squeeze %dma_start3A_110 : memref<1x128xf32, #tpu.memory_space<vmem>> -> memref<128xf32, #tpu.memory_space<vmem>>
      %dma_start3A_112 = arith.constant 0 : i32
      %dma_start3A_113 = tpu.memref_slice %arg8[%run_scoped3A_19, %dma_start3A_112] : memref<5x128xi32, #tpu.memory_space<vmem>> -> memref<1x128xi32, #tpu.memory_space<vmem>>
      %dma_start3A_114 = tpu.memref_squeeze %dma_start3A_113 : memref<1x128xi32, #tpu.memory_space<vmem>> -> memref<128xi32, #tpu.memory_space<vmem>>
      %dma_start3A_115 = arith.constant 0 : i32
      %dma_start3A_116 = tpu.memref_slice %arg2[%dma_start3A_115] : memref<102498304xf32, #tpu.memory_space<hbm>> -> memref<102498304xf32, #tpu.memory_space<hbm>>
      tpu.enqueue_indirect_dma source(%dma_start3A_111 : memref<128xf32, #tpu.memory_space<vmem>>) target(%dma_start3A_116 : memref<102498304xf32, #tpu.memory_space<hbm>>) offsets(%dma_start3A_114 : memref<128xi32, #tpu.memory_space<vmem>>) semaphore(%run_scoped3A_108 : memref<!tpu.dma_semaphore, #tpu.memory_space<semaphore_mem>>)
      %dma_wait3A_117 = arith.constant 0 : i32
      %dma_wait3A_118 = tpu.memref_slice %arg9[%run_scoped3A, %dma_wait3A_117] : memref<5x128xf32, #tpu.memory_space<vmem>> -> memref<1x128xf32, #tpu.memory_space<vmem>>
      %dma_wait3A_119 = tpu.memref_squeeze %dma_wait3A_118 : memref<1x128xf32, #tpu.memory_space<vmem>> -> memref<128xf32, #tpu.memory_space<vmem>>
      %dma_wait3A_120 = arith.constant 0 : i32
      %dma_wait3A_121 = tpu.memref_slice %arg8[%run_scoped3A_19, %dma_wait3A_120] : memref<5x128xi32, #tpu.memory_space<vmem>> -> memref<1x128xi32, #tpu.memory_space<vmem>>
      %dma_wait3A_122 = tpu.memref_squeeze %dma_wait3A_121 : memref<1x128xi32, #tpu.memory_space<vmem>> -> memref<128xi32, #tpu.memory_space<vmem>>
      %dma_wait3A_123 = arith.constant 0 : i32
      %dma_wait3A_124 = tpu.memref_slice %arg2[%dma_wait3A_123] : memref<102498304xf32, #tpu.memory_space<hbm>> -> memref<102498304xf32, #tpu.memory_space<hbm>>
      tpu.wait_indirect_dma semaphore(%run_scoped3A_108 : memref<!tpu.dma_semaphore, #tpu.memory_space<semaphore_mem>>) src(%dma_wait3A_119 : memref<128xf32, #tpu.memory_space<vmem>>) dst(%dma_wait3A_124 : memref<102498304xf32, #tpu.memory_space<hbm>>)
      tpu.yield
    }) : () -> ()
    %dma_start3A_20 = arith.constant 1 : i32
    %dma_start3A_21 = arith.constant 1 : i32
    %dma_start3A_22 = arith.constant 0 : i32
    %dma_start3A_23 = tpu.memref_slice %arg9[%dma_start3A_21, %dma_start3A_22] : memref<5x128xf32, #tpu.memory_space<vmem>> -> memref<1x128xf32, #tpu.memory_space<vmem>>
    %dma_start3A_24 = tpu.memref_squeeze %dma_start3A_23 : memref<1x128xf32, #tpu.memory_space<vmem>> -> memref<128xf32, #tpu.memory_space<vmem>>
    %dma_start3A_25 = arith.constant 0 : i32
    %dma_start3A_26 = tpu.memref_slice %arg7[%dma_start3A_20, %dma_start3A_25] : memref<5x128xi32, #tpu.memory_space<vmem>> -> memref<1x128xi32, #tpu.memory_space<vmem>>
    %dma_start3A_27 = tpu.memref_squeeze %dma_start3A_26 : memref<1x128xi32, #tpu.memory_space<vmem>> -> memref<128xi32, #tpu.memory_space<vmem>>
    %dma_start3A_28 = arith.constant 0 : i32
    %dma_start3A_29 = tpu.memref_slice %arg5[%dma_start3A_28] : memref<32768xf32, #tpu.memory_space<hbm>> -> memref<32768xf32, #tpu.memory_space<hbm>>
    tpu.enqueue_indirect_dma source(%dma_start3A_29 : memref<32768xf32, #tpu.memory_space<hbm>>) target(%dma_start3A_24 : memref<128xf32, #tpu.memory_space<vmem>>) offsets(%dma_start3A_27 : memref<128xi32, #tpu.memory_space<vmem>>) semaphore(%arg10 : memref<!tpu.dma_semaphore, #tpu.memory_space<semaphore_mem>>)
    %dma_wait3A_30 = arith.constant 1 : i32
    %dma_wait3A_31 = arith.constant 1 : i32
    %dma_wait3A_32 = arith.constant 0 : i32
    %dma_wait3A_33 = tpu.memref_slice %arg9[%dma_wait3A_31, %dma_wait3A_32] : memref<5x128xf32, #tpu.memory_space<vmem>> -> memref<1x128xf32, #tpu.memory_space<vmem>>
    %dma_wait3A_34 = tpu.memref_squeeze %dma_wait3A_33 : memref<1x128xf32, #tpu.memory_space<vmem>> -> memref<128xf32, #tpu.memory_space<vmem>>
    %dma_wait3A_35 = arith.constant 0 : i32
    %dma_wait3A_36 = tpu.memref_slice %arg7[%dma_wait3A_30, %dma_wait3A_35] : memref<5x128xi32, #tpu.memory_space<vmem>> -> memref<1x128xi32, #tpu.memory_space<vmem>>
    %dma_wait3A_37 = tpu.memref_squeeze %dma_wait3A_36 : memref<1x128xi32, #tpu.memory_space<vmem>> -> memref<128xi32, #tpu.memory_space<vmem>>
    %dma_wait3A_38 = arith.constant 0 : i32
    %dma_wait3A_39 = tpu.memref_slice %arg5[%dma_wait3A_38] : memref<32768xf32, #tpu.memory_space<hbm>> -> memref<32768xf32, #tpu.memory_space<hbm>>
    tpu.wait_indirect_dma semaphore(%arg10 : memref<!tpu.dma_semaphore, #tpu.memory_space<semaphore_mem>>) src(%dma_wait3A_39 : memref<32768xf32, #tpu.memory_space<hbm>>) dst(%dma_wait3A_34 : memref<128xf32, #tpu.memory_space<vmem>>)
    %run_scoped3A_40 = arith.constant 1 : i32
    %run_scoped3A_41 = arith.constant 1 : i32
    "tpu.region"() ({
      %run_scoped3A_108 = tpu.sem_alloc : memref<!tpu.dma_semaphore, #tpu.memory_space<semaphore_mem>>
      %dma_start3A_109 = arith.constant 0 : i32
      %dma_start3A_110 = tpu.memref_slice %arg9[%run_scoped3A_40, %dma_start3A_109] : memref<5x128xf32, #tpu.memory_space<vmem>> -> memref<1x128xf32, #tpu.memory_space<vmem>>
      %dma_start3A_111 = tpu.memref_squeeze %dma_start3A_110 : memref<1x128xf32, #tpu.memory_space<vmem>> -> memref<128xf32, #tpu.memory_space<vmem>>
      %dma_start3A_112 = arith.constant 0 : i32
      %dma_start3A_113 = tpu.memref_slice %arg8[%run_scoped3A_41, %dma_start3A_112] : memref<5x128xi32, #tpu.memory_space<vmem>> -> memref<1x128xi32, #tpu.memory_space<vmem>>
      %dma_start3A_114 = tpu.memref_squeeze %dma_start3A_113 : memref<1x128xi32, #tpu.memory_space<vmem>> -> memref<128xi32, #tpu.memory_space<vmem>>
      %dma_start3A_115 = arith.constant 0 : i32
      %dma_start3A_116 = tpu.memref_slice %arg2[%dma_start3A_115] : memref<102498304xf32, #tpu.memory_space<hbm>> -> memref<102498304xf32, #tpu.memory_space<hbm>>
      tpu.enqueue_indirect_dma source(%dma_start3A_111 : memref<128xf32, #tpu.memory_space<vmem>>) target(%dma_start3A_116 : memref<102498304xf32, #tpu.memory_space<hbm>>) offsets(%dma_start3A_114 : memref<128xi32, #tpu.memory_space<vmem>>) semaphore(%run_scoped3A_108 : memref<!tpu.dma_semaphore, #tpu.memory_space<semaphore_mem>>)
      %dma_wait3A_117 = arith.constant 0 : i32
      %dma_wait3A_118 = tpu.memref_slice %arg9[%run_scoped3A_40, %dma_wait3A_117] : memref<5x128xf32, #tpu.memory_space<vmem>> -> memref<1x128xf32, #tpu.memory_space<vmem>>
      %dma_wait3A_119 = tpu.memref_squeeze %dma_wait3A_118 : memref<1x128xf32, #tpu.memory_space<vmem>> -> memref<128xf32, #tpu.memory_space<vmem>>
      %dma_wait3A_120 = arith.constant 0 : i32
      %dma_wait3A_121 = tpu.memref_slice %arg8[%run_scoped3A_41, %dma_wait3A_120] : memref<5x128xi32, #tpu.memory_space<vmem>> -> memref<1x128xi32, #tpu.memory_space<vmem>>
      %dma_wait3A_122 = tpu.memref_squeeze %dma_wait3A_121 : memref<1x128xi32, #tpu.memory_space<vmem>> -> memref<128xi32, #tpu.memory_space<vmem>>
      %dma_wait3A_123 = arith.constant 0 : i32
      %dma_wait3A_124 = tpu.memref_slice %arg2[%dma_wait3A_123] : memref<102498304xf32, #tpu.memory_space<hbm>> -> memref<102498304xf32, #tpu.memory_space<hbm>>
      tpu.wait_indirect_dma semaphore(%run_scoped3A_108 : memref<!tpu.dma_semaphore, #tpu.memory_space<semaphore_mem>>) src(%dma_wait3A_119 : memref<128xf32, #tpu.memory_space<vmem>>) dst(%dma_wait3A_124 : memref<102498304xf32, #tpu.memory_space<hbm>>)
      tpu.yield
    }) : () -> ()
    %dma_start3A_42 = arith.constant 2 : i32
    %dma_start3A_43 = arith.constant 2 : i32
    %dma_start3A_44 = arith.constant 0 : i32
    %dma_start3A_45 = tpu.memref_slice %arg9[%dma_start3A_43, %dma_start3A_44] : memref<5x128xf32, #tpu.memory_space<vmem>> -> memref<1x128xf32, #tpu.memory_space<vmem>>
    %dma_start3A_46 = tpu.memref_squeeze %dma_start3A_45 : memref<1x128xf32, #tpu.memory_space<vmem>> -> memref<128xf32, #tpu.memory_space<vmem>>
    %dma_start3A_47 = arith.constant 0 : i32
    %dma_start3A_48 = tpu.memref_slice %arg7[%dma_start3A_42, %dma_start3A_47] : memref<5x128xi32, #tpu.memory_space<vmem>> -> memref<1x128xi32, #tpu.memory_space<vmem>>
    %dma_start3A_49 = tpu.memref_squeeze %dma_start3A_48 : memref<1x128xi32, #tpu.memory_space<vmem>> -> memref<128xi32, #tpu.memory_space<vmem>>
    %dma_start3A_50 = arith.constant 0 : i32
    %dma_start3A_51 = tpu.memref_slice %arg5[%dma_start3A_50] : memref<32768xf32, #tpu.memory_space<hbm>> -> memref<32768xf32, #tpu.memory_space<hbm>>
    tpu.enqueue_indirect_dma source(%dma_start3A_51 : memref<32768xf32, #tpu.memory_space<hbm>>) target(%dma_start3A_46 : memref<128xf32, #tpu.memory_space<vmem>>) offsets(%dma_start3A_49 : memref<128xi32, #tpu.memory_space<vmem>>) semaphore(%arg10 : memref<!tpu.dma_semaphore, #tpu.memory_space<semaphore_mem>>)
    %dma_wait3A_52 = arith.constant 2 : i32
    %dma_wait3A_53 = arith.constant 2 : i32
    %dma_wait3A_54 = arith.constant 0 : i32
    %dma_wait3A_55 = tpu.memref_slice %arg9[%dma_wait3A_53, %dma_wait3A_54] : memref<5x128xf32, #tpu.memory_space<vmem>> -> memref<1x128xf32, #tpu.memory_space<vmem>>
    %dma_wait3A_56 = tpu.memref_squeeze %dma_wait3A_55 : memref<1x128xf32, #tpu.memory_space<vmem>> -> memref<128xf32, #tpu.memory_space<vmem>>
    %dma_wait3A_57 = arith.constant 0 : i32
    %dma_wait3A_58 = tpu.memref_slice %arg7[%dma_wait3A_52, %dma_wait3A_57] : memref<5x128xi32, #tpu.memory_space<vmem>> -> memref<1x128xi32, #tpu.memory_space<vmem>>
    %dma_wait3A_59 = tpu.memref_squeeze %dma_wait3A_58 : memref<1x128xi32, #tpu.memory_space<vmem>> -> memref<128xi32, #tpu.memory_space<vmem>>
    %dma_wait3A_60 = arith.constant 0 : i32
    %dma_wait3A_61 = tpu.memref_slice %arg5[%dma_wait3A_60] : memref<32768xf32, #tpu.memory_space<hbm>> -> memref<32768xf32, #tpu.memory_space<hbm>>
    tpu.wait_indirect_dma semaphore(%arg10 : memref<!tpu.dma_semaphore, #tpu.memory_space<semaphore_mem>>) src(%dma_wait3A_61 : memref<32768xf32, #tpu.memory_space<hbm>>) dst(%dma_wait3A_56 : memref<128xf32, #tpu.memory_space<vmem>>)
    %run_scoped3A_62 = arith.constant 2 : i32
    %run_scoped3A_63 = arith.constant 2 : i32
    "tpu.region"() ({
      %run_scoped3A_108 = tpu.sem_alloc : memref<!tpu.dma_semaphore, #tpu.memory_space<semaphore_mem>>
      %dma_start3A_109 = arith.constant 0 : i32
      %dma_start3A_110 = tpu.memref_slice %arg9[%run_scoped3A_62, %dma_start3A_109] : memref<5x128xf32, #tpu.memory_space<vmem>> -> memref<1x128xf32, #tpu.memory_space<vmem>>
      %dma_start3A_111 = tpu.memref_squeeze %dma_start3A_110 : memref<1x128xf32, #tpu.memory_space<vmem>> -> memref<128xf32, #tpu.memory_space<vmem>>
      %dma_start3A_112 = arith.constant 0 : i32
      %dma_start3A_113 = tpu.memref_slice %arg8[%run_scoped3A_63, %dma_start3A_112] : memref<5x128xi32, #tpu.memory_space<vmem>> -> memref<1x128xi32, #tpu.memory_space<vmem>>
      %dma_start3A_114 = tpu.memref_squeeze %dma_start3A_113 : memref<1x128xi32, #tpu.memory_space<vmem>> -> memref<128xi32, #tpu.memory_space<vmem>>
      %dma_start3A_115 = arith.constant 0 : i32
      %dma_start3A_116 = tpu.memref_slice %arg2[%dma_start3A_115] : memref<102498304xf32, #tpu.memory_space<hbm>> -> memref<102498304xf32, #tpu.memory_space<hbm>>
      tpu.enqueue_indirect_dma source(%dma_start3A_111 : memref<128xf32, #tpu.memory_space<vmem>>) target(%dma_start3A_116 : memref<102498304xf32, #tpu.memory_space<hbm>>) offsets(%dma_start3A_114 : memref<128xi32, #tpu.memory_space<vmem>>) semaphore(%run_scoped3A_108 : memref<!tpu.dma_semaphore, #tpu.memory_space<semaphore_mem>>)
      %dma_wait3A_117 = arith.constant 0 : i32
      %dma_wait3A_118 = tpu.memref_slice %arg9[%run_scoped3A_62, %dma_wait3A_117] : memref<5x128xf32, #tpu.memory_space<vmem>> -> memref<1x128xf32, #tpu.memory_space<vmem>>
      %dma_wait3A_119 = tpu.memref_squeeze %dma_wait3A_118 : memref<1x128xf32, #tpu.memory_space<vmem>> -> memref<128xf32, #tpu.memory_space<vmem>>
      %dma_wait3A_120 = arith.constant 0 : i32
      %dma_wait3A_121 = tpu.memref_slice %arg8[%run_scoped3A_63, %dma_wait3A_120] : memref<5x128xi32, #tpu.memory_space<vmem>> -> memref<1x128xi32, #tpu.memory_space<vmem>>
      %dma_wait3A_122 = tpu.memref_squeeze %dma_wait3A_121 : memref<1x128xi32, #tpu.memory_space<vmem>> -> memref<128xi32, #tpu.memory_space<vmem>>
      %dma_wait3A_123 = arith.constant 0 : i32
      %dma_wait3A_124 = tpu.memref_slice %arg2[%dma_wait3A_123] : memref<102498304xf32, #tpu.memory_space<hbm>> -> memref<102498304xf32, #tpu.memory_space<hbm>>
      tpu.wait_indirect_dma semaphore(%run_scoped3A_108 : memref<!tpu.dma_semaphore, #tpu.memory_space<semaphore_mem>>) src(%dma_wait3A_119 : memref<128xf32, #tpu.memory_space<vmem>>) dst(%dma_wait3A_124 : memref<102498304xf32, #tpu.memory_space<hbm>>)
      tpu.yield
    }) : () -> ()
    %dma_start3A_64 = arith.constant 3 : i32
    %dma_start3A_65 = arith.constant 3 : i32
    %dma_start3A_66 = arith.constant 0 : i32
    %dma_start3A_67 = tpu.memref_slice %arg9[%dma_start3A_65, %dma_start3A_66] : memref<5x128xf32, #tpu.memory_space<vmem>> -> memref<1x128xf32, #tpu.memory_space<vmem>>
    %dma_start3A_68 = tpu.memref_squeeze %dma_start3A_67 : memref<1x128xf32, #tpu.memory_space<vmem>> -> memref<128xf32, #tpu.memory_space<vmem>>
    %dma_start3A_69 = arith.constant 0 : i32
    %dma_start3A_70 = tpu.memref_slice %arg7[%dma_start3A_64, %dma_start3A_69] : memref<5x128xi32, #tpu.memory_space<vmem>> -> memref<1x128xi32, #tpu.memory_space<vmem>>
    %dma_start3A_71 = tpu.memref_squeeze %dma_start3A_70 : memref<1x128xi32, #tpu.memory_space<vmem>> -> memref<128xi32, #tpu.memory_space<vmem>>
    %dma_start3A_72 = arith.constant 0 : i32
    %dma_start3A_73 = tpu.memref_slice %arg5[%dma_start3A_72] : memref<32768xf32, #tpu.memory_space<hbm>> -> memref<32768xf32, #tpu.memory_space<hbm>>
    tpu.enqueue_indirect_dma source(%dma_start3A_73 : memref<32768xf32, #tpu.memory_space<hbm>>) target(%dma_start3A_68 : memref<128xf32, #tpu.memory_space<vmem>>) offsets(%dma_start3A_71 : memref<128xi32, #tpu.memory_space<vmem>>) semaphore(%arg10 : memref<!tpu.dma_semaphore, #tpu.memory_space<semaphore_mem>>)
    %dma_wait3A_74 = arith.constant 3 : i32
    %dma_wait3A_75 = arith.constant 3 : i32
    %dma_wait3A_76 = arith.constant 0 : i32
    %dma_wait3A_77 = tpu.memref_slice %arg9[%dma_wait3A_75, %dma_wait3A_76] : memref<5x128xf32, #tpu.memory_space<vmem>> -> memref<1x128xf32, #tpu.memory_space<vmem>>
    %dma_wait3A_78 = tpu.memref_squeeze %dma_wait3A_77 : memref<1x128xf32, #tpu.memory_space<vmem>> -> memref<128xf32, #tpu.memory_space<vmem>>
    %dma_wait3A_79 = arith.constant 0 : i32
    %dma_wait3A_80 = tpu.memref_slice %arg7[%dma_wait3A_74, %dma_wait3A_79] : memref<5x128xi32, #tpu.memory_space<vmem>> -> memref<1x128xi32, #tpu.memory_space<vmem>>
    %dma_wait3A_81 = tpu.memref_squeeze %dma_wait3A_80 : memref<1x128xi32, #tpu.memory_space<vmem>> -> memref<128xi32, #tpu.memory_space<vmem>>
    %dma_wait3A_82 = arith.constant 0 : i32
    %dma_wait3A_83 = tpu.memref_slice %arg5[%dma_wait3A_82] : memref<32768xf32, #tpu.memory_space<hbm>> -> memref<32768xf32, #tpu.memory_space<hbm>>
    tpu.wait_indirect_dma semaphore(%arg10 : memref<!tpu.dma_semaphore, #tpu.memory_space<semaphore_mem>>) src(%dma_wait3A_83 : memref<32768xf32, #tpu.memory_space<hbm>>) dst(%dma_wait3A_78 : memref<128xf32, #tpu.memory_space<vmem>>)
    %run_scoped3A_84 = arith.constant 3 : i32
    %run_scoped3A_85 = arith.constant 3 : i32
    "tpu.region"() ({
      %run_scoped3A_108 = tpu.sem_alloc : memref<!tpu.dma_semaphore, #tpu.memory_space<semaphore_mem>>
      %dma_start3A_109 = arith.constant 0 : i32
      %dma_start3A_110 = tpu.memref_slice %arg9[%run_scoped3A_84, %dma_start3A_109] : memref<5x128xf32, #tpu.memory_space<vmem>> -> memref<1x128xf32, #tpu.memory_space<vmem>>
      %dma_start3A_111 = tpu.memref_squeeze %dma_start3A_110 : memref<1x128xf32, #tpu.memory_space<vmem>> -> memref<128xf32, #tpu.memory_space<vmem>>
      %dma_start3A_112 = arith.constant 0 : i32
      %dma_start3A_113 = tpu.memref_slice %arg8[%run_scoped3A_85, %dma_start3A_112] : memref<5x128xi32, #tpu.memory_space<vmem>> -> memref<1x128xi32, #tpu.memory_space<vmem>>
      %dma_start3A_114 = tpu.memref_squeeze %dma_start3A_113 : memref<1x128xi32, #tpu.memory_space<vmem>> -> memref<128xi32, #tpu.memory_space<vmem>>
      %dma_start3A_115 = arith.constant 0 : i32
      %dma_start3A_116 = tpu.memref_slice %arg2[%dma_start3A_115] : memref<102498304xf32, #tpu.memory_space<hbm>> -> memref<102498304xf32, #tpu.memory_space<hbm>>
      tpu.enqueue_indirect_dma source(%dma_start3A_111 : memref<128xf32, #tpu.memory_space<vmem>>) target(%dma_start3A_116 : memref<102498304xf32, #tpu.memory_space<hbm>>) offsets(%dma_start3A_114 : memref<128xi32, #tpu.memory_space<vmem>>) semaphore(%run_scoped3A_108 : memref<!tpu.dma_semaphore, #tpu.memory_space<semaphore_mem>>)
      %dma_wait3A_117 = arith.constant 0 : i32
      %dma_wait3A_118 = tpu.memref_slice %arg9[%run_scoped3A_84, %dma_wait3A_117] : memref<5x128xf32, #tpu.memory_space<vmem>> -> memref<1x128xf32, #tpu.memory_space<vmem>>
      %dma_wait3A_119 = tpu.memref_squeeze %dma_wait3A_118 : memref<1x128xf32, #tpu.memory_space<vmem>> -> memref<128xf32, #tpu.memory_space<vmem>>
      %dma_wait3A_120 = arith.constant 0 : i32
      %dma_wait3A_121 = tpu.memref_slice %arg8[%run_scoped3A_85, %dma_wait3A_120] : memref<5x128xi32, #tpu.memory_space<vmem>> -> memref<1x128xi32, #tpu.memory_space<vmem>>
      %dma_wait3A_122 = tpu.memref_squeeze %dma_wait3A_121 : memref<1x128xi32, #tpu.memory_space<vmem>> -> memref<128xi32, #tpu.memory_space<vmem>>
      %dma_wait3A_123 = arith.constant 0 : i32
      %dma_wait3A_124 = tpu.memref_slice %arg2[%dma_wait3A_123] : memref<102498304xf32, #tpu.memory_space<hbm>> -> memref<102498304xf32, #tpu.memory_space<hbm>>
      tpu.wait_indirect_dma semaphore(%run_scoped3A_108 : memref<!tpu.dma_semaphore, #tpu.memory_space<semaphore_mem>>) src(%dma_wait3A_119 : memref<128xf32, #tpu.memory_space<vmem>>) dst(%dma_wait3A_124 : memref<102498304xf32, #tpu.memory_space<hbm>>)
      tpu.yield
    }) : () -> ()
    %dma_start3A_86 = arith.constant 4 : i32
    %dma_start3A_87 = arith.constant 4 : i32
    %dma_start3A_88 = arith.constant 0 : i32
    %dma_start3A_89 = tpu.memref_slice %arg9[%dma_start3A_87, %dma_start3A_88] : memref<5x128xf32, #tpu.memory_space<vmem>> -> memref<1x128xf32, #tpu.memory_space<vmem>>
    %dma_start3A_90 = tpu.memref_squeeze %dma_start3A_89 : memref<1x128xf32, #tpu.memory_space<vmem>> -> memref<128xf32, #tpu.memory_space<vmem>>
    %dma_start3A_91 = arith.constant 0 : i32
    %dma_start3A_92 = tpu.memref_slice %arg7[%dma_start3A_86, %dma_start3A_91] : memref<5x128xi32, #tpu.memory_space<vmem>> -> memref<1x128xi32, #tpu.memory_space<vmem>>
    %dma_start3A_93 = tpu.memref_squeeze %dma_start3A_92 : memref<1x128xi32, #tpu.memory_space<vmem>> -> memref<128xi32, #tpu.memory_space<vmem>>
    %dma_start3A_94 = arith.constant 0 : i32
    %dma_start3A_95 = tpu.memref_slice %arg5[%dma_start3A_94] : memref<32768xf32, #tpu.memory_space<hbm>> -> memref<32768xf32, #tpu.memory_space<hbm>>
    tpu.enqueue_indirect_dma source(%dma_start3A_95 : memref<32768xf32, #tpu.memory_space<hbm>>) target(%dma_start3A_90 : memref<128xf32, #tpu.memory_space<vmem>>) offsets(%dma_start3A_93 : memref<128xi32, #tpu.memory_space<vmem>>) semaphore(%arg10 : memref<!tpu.dma_semaphore, #tpu.memory_space<semaphore_mem>>)
    %dma_wait3A_96 = arith.constant 4 : i32
    %dma_wait3A_97 = arith.constant 4 : i32
    %dma_wait3A_98 = arith.constant 0 : i32
    %dma_wait3A_99 = tpu.memref_slice %arg9[%dma_wait3A_97, %dma_wait3A_98] : memref<5x128xf32, #tpu.memory_space<vmem>> -> memref<1x128xf32, #tpu.memory_space<vmem>>
    %dma_wait3A_100 = tpu.memref_squeeze %dma_wait3A_99 : memref<1x128xf32, #tpu.memory_space<vmem>> -> memref<128xf32, #tpu.memory_space<vmem>>
    %dma_wait3A_101 = arith.constant 0 : i32
    %dma_wait3A_102 = tpu.memref_slice %arg7[%dma_wait3A_96, %dma_wait3A_101] : memref<5x128xi32, #tpu.memory_space<vmem>> -> memref<1x128xi32, #tpu.memory_space<vmem>>
    %dma_wait3A_103 = tpu.memref_squeeze %dma_wait3A_102 : memref<1x128xi32, #tpu.memory_space<vmem>> -> memref<128xi32, #tpu.memory_space<vmem>>
    %dma_wait3A_104 = arith.constant 0 : i32
    %dma_wait3A_105 = tpu.memref_slice %arg5[%dma_wait3A_104] : memref<32768xf32, #tpu.memory_space<hbm>> -> memref<32768xf32, #tpu.memory_space<hbm>>
    tpu.wait_indirect_dma semaphore(%arg10 : memref<!tpu.dma_semaphore, #tpu.memory_space<semaphore_mem>>) src(%dma_wait3A_105 : memref<32768xf32, #tpu.memory_space<hbm>>) dst(%dma_wait3A_100 : memref<128xf32, #tpu.memory_space<vmem>>)
    %run_scoped3A_106 = arith.constant 4 : i32
    %run_scoped3A_107 = arith.constant 4 : i32
    "tpu.region"() ({
      %run_scoped3A_108 = tpu.sem_alloc : memref<!tpu.dma_semaphore, #tpu.memory_space<semaphore_mem>>
      %dma_start3A_109 = arith.constant 0 : i32
      %dma_start3A_110 = tpu.memref_slice %arg9[%run_scoped3A_106, %dma_start3A_109] : memref<5x128xf32, #tpu.memory_space<vmem>> -> memref<1x128xf32, #tpu.memory_space<vmem>>
      %dma_start3A_111 = tpu.memref_squeeze %dma_start3A_110 : memref<1x128xf32, #tpu.memory_space<vmem>> -> memref<128xf32, #tpu.memory_space<vmem>>
      %dma_start3A_112 = arith.constant 0 : i32
      %dma_start3A_113 = tpu.memref_slice %arg8[%run_scoped3A_107, %dma_start3A_112] : memref<5x128xi32, #tpu.memory_space<vmem>> -> memref<1x128xi32, #tpu.memory_space<vmem>>
      %dma_start3A_114 = tpu.memref_squeeze %dma_start3A_113 : memref<1x128xi32, #tpu.memory_space<vmem>> -> memref<128xi32, #tpu.memory_space<vmem>>
      %dma_start3A_115 = arith.constant 0 : i32
      %dma_start3A_116 = tpu.memref_slice %arg2[%dma_start3A_115] : memref<102498304xf32, #tpu.memory_space<hbm>> -> memref<102498304xf32, #tpu.memory_space<hbm>>
      tpu.enqueue_indirect_dma source(%dma_start3A_111 : memref<128xf32, #tpu.memory_space<vmem>>) target(%dma_start3A_116 : memref<102498304xf32, #tpu.memory_space<hbm>>) offsets(%dma_start3A_114 : memref<128xi32, #tpu.memory_space<vmem>>) semaphore(%run_scoped3A_108 : memref<!tpu.dma_semaphore, #tpu.memory_space<semaphore_mem>>)
      %dma_wait3A_117 = arith.constant 0 : i32
      %dma_wait3A_118 = tpu.memref_slice %arg9[%run_scoped3A_106, %dma_wait3A_117] : memref<5x128xf32, #tpu.memory_space<vmem>> -> memref<1x128xf32, #tpu.memory_space<vmem>>
      %dma_wait3A_119 = tpu.memref_squeeze %dma_wait3A_118 : memref<1x128xf32, #tpu.memory_space<vmem>> -> memref<128xf32, #tpu.memory_space<vmem>>
      %dma_wait3A_120 = arith.constant 0 : i32
      %dma_wait3A_121 = tpu.memref_slice %arg8[%run_scoped3A_107, %dma_wait3A_120] : memref<5x128xi32, #tpu.memory_space<vmem>> -> memref<1x128xi32, #tpu.memory_space<vmem>>
      %dma_wait3A_122 = tpu.memref_squeeze %dma_wait3A_121 : memref<1x128xi32, #tpu.memory_space<vmem>> -> memref<128xi32, #tpu.memory_space<vmem>>
      %dma_wait3A_123 = arith.constant 0 : i32
      %dma_wait3A_124 = tpu.memref_slice %arg2[%dma_wait3A_123] : memref<102498304xf32, #tpu.memory_space<hbm>> -> memref<102498304xf32, #tpu.memory_space<hbm>>
      tpu.wait_indirect_dma semaphore(%run_scoped3A_108 : memref<!tpu.dma_semaphore, #tpu.memory_space<semaphore_mem>>) src(%dma_wait3A_119 : memref<128xf32, #tpu.memory_space<vmem>>) dst(%dma_wait3A_124 : memref<102498304xf32, #tpu.memory_space<hbm>>)
      tpu.yield
    }) : () -> ()
    return
  }
}

module attributes {stable_mosaic.version = 14 : i64} {
  func.func @_attn_window_kernel(%arg0: i32, %arg1: memref<1025xi32, #tpu.memory_space<smem>>, %arg2: memref<20480x128xf32, #tpu.memory_space<hbm>>, %arg3: memref<8x128xf32, #tpu.memory_space<vmem>>, %arg4: memref<128x128xf32, #tpu.memory_space<vmem>>, %arg5: memref<128x128xf32, #tpu.memory_space<vmem>>, %arg6: memref<128x128xf32, #tpu.memory_space<vmem>>, %arg7: memref<128x128xf32, #tpu.memory_space<vmem>>, %arg8: memref<128x128xf32, #tpu.memory_space<vmem>>, %arg9: memref<1x128xf32, #tpu.memory_space<vmem>>, %arg10: memref<1x128xf32, #tpu.memory_space<vmem>>, %arg11: memref<128x16xf32, #tpu.memory_space<vmem>>, %arg12: memref<1x16xf32, #tpu.memory_space<vmem>>, %arg13: memref<16x1xf32, #tpu.memory_space<vmem>>, %arg14: memref<1x1xf32, #tpu.memory_space<vmem>>, %arg15: memref<128x1xf32, #tpu.memory_space<vmem>>, %arg16: memref<1x1xf32, #tpu.memory_space<vmem>>, %arg17: memref<256x1xf32, #tpu.memory_space<vmem>>, %arg18: memref<8x16xf32, #tpu.memory_space<vmem>>, %arg19: memref<256x128xf32, #tpu.memory_space<vmem>>, %arg20: memref<!tpu.dma_semaphore, #tpu.memory_space<semaphore_mem>>) attributes {dimension_semantics = [#tpu.dimension_semantics<arbitrary>], iteration_bounds = array<i64: 128>, scalar_prefetch = 0 : i64, scratch_operands = 2 : i64, tpu.core_type = #tpu.core_type<tc>, window_params = [{transform_indices = @transform_0, window_bounds = array<i64: 1025>}, {}, {transform_indices = @transform_2, window_bounds = array<i64: 8, 128>}, {pipeline_mode = #tpu.pipeline_mode<synchronous>, transform_indices = @transform_3, window_bounds = array<i64: 128, 128>}, {pipeline_mode = #tpu.pipeline_mode<synchronous>, transform_indices = @transform_4, window_bounds = array<i64: 128, 128>}, {pipeline_mode = #tpu.pipeline_mode<synchronous>, transform_indices = @transform_5, window_bounds = array<i64: 128, 128>}, {pipeline_mode = #tpu.pipeline_mode<synchronous>, transform_indices = @transform_6, window_bounds = array<i64: 128, 128>}, {pipeline_mode = #tpu.pipeline_mode<synchronous>, transform_indices = @transform_7, window_bounds = array<i64: 128, 128>}, {pipeline_mode = #tpu.pipeline_mode<synchronous>, transform_indices = @transform_8, window_bounds = array<i64: 1, 128>}, {pipeline_mode = #tpu.pipeline_mode<synchronous>, transform_indices = @transform_9, window_bounds = array<i64: 1, 128>}, {pipeline_mode = #tpu.pipeline_mode<synchronous>, transform_indices = @transform_10, window_bounds = array<i64: 128, 16>}, {pipeline_mode = #tpu.pipeline_mode<synchronous>, transform_indices = @transform_11, window_bounds = array<i64: 1, 16>}, {pipeline_mode = #tpu.pipeline_mode<synchronous>, transform_indices = @transform_12, window_bounds = array<i64: 16, 1>}, {pipeline_mode = #tpu.pipeline_mode<synchronous>, transform_indices = @transform_13, window_bounds = array<i64: 1, 1>}, {pipeline_mode = #tpu.pipeline_mode<synchronous>, transform_indices = @transform_14, window_bounds = array<i64: 128, 1>}, {pipeline_mode = #tpu.pipeline_mode<synchronous>, transform_indices = @transform_15, window_bounds = array<i64: 1, 1>}, {transform_indices = @transform_16, window_bounds = array<i64: 256, 1>}, {transform_indices = @transform_17, window_bounds = array<i64: 8, 16>}]} {
    %mul3A = arith.constant 8 : i32
    %mul3A_0 = arith.muli %arg0, %mul3A : i32
    %get3A = arith.index_cast %mul3A_0 : i32 to index
    %get3A_1 = memref.load %arg1[%get3A] : memref<1025xi32, #tpu.memory_space<smem>>
    %jit3A = arith.constant 8 : i32
    %div3A = arith.divsi %get3A_1, %jit3A : i32
    %sign3A = arith.constant 0 : i32
    %sign3A_2 = arith.cmpi sgt, %get3A_1, %sign3A : i32
    %sign3A_3 = arith.extui %sign3A_2 : i1 to i32
    %sign3A_4 = arith.constant 0 : i32
    %sign3A_5 = arith.cmpi slt, %get3A_1, %sign3A_4 : i32
    %sign3A_6 = arith.extui %sign3A_5 : i1 to i32
    %sign3A_7 = arith.subi %sign3A_3, %sign3A_6 : i32
    %sign3A_8 = arith.constant 0 : i32
    %sign3A_9 = arith.cmpi sgt, %jit3A, %sign3A_8 : i32
    %sign3A_10 = arith.extui %sign3A_9 : i1 to i32
    %sign3A_11 = arith.constant 0 : i32
    %sign3A_12 = arith.cmpi slt, %jit3A, %sign3A_11 : i32
    %sign3A_13 = arith.extui %sign3A_12 : i1 to i32
    %sign3A_14 = arith.subi %sign3A_10, %sign3A_13 : i32
    %ne3A = arith.cmpi ne, %sign3A_7, %sign3A_14 : i32
    %rem3A = arith.remsi %get3A_1, %jit3A : i32
    %ne3A_15 = arith.constant 0 : i32
    %ne3A_16 = arith.cmpi ne, %rem3A, %ne3A_15 : i32
    %and3A = arith.andi %ne3A, %ne3A_16 : i1
    %sub3A = arith.constant 1 : i32
    %sub3A_17 = arith.subi %div3A, %sub3A : i32
    %select_n3A = arith.select %and3A, %sub3A_17, %div3A : i32
    %mul3A_18 = arith.constant 8 : i32
    %mul3A_19 = arith.muli %select_n3A, %mul3A_18 : i32
    %min3A = arith.constant 20224 : i32
    %min3A_20 = arith.minsi %mul3A_19, %min3A : i32
    %dma_start3A = arith.constant 0 : i32
    %dma_start3A_21 = tpu.memref_slice %arg2[%min3A_20, %dma_start3A] : memref<20480x128xf32, #tpu.memory_space<hbm>> -> memref<256x128xf32, #tpu.memory_space<hbm>>
    tpu.enqueue_dma source(%dma_start3A_21 : memref<256x128xf32, #tpu.memory_space<hbm>>) target(%arg19 : memref<256x128xf32, #tpu.memory_space<vmem>>) target_semaphore(%arg20 : memref<!tpu.dma_semaphore, #tpu.memory_space<semaphore_mem>>)
    %dma_wait3A = arith.constant 0 : i32
    %dma_wait3A_22 = tpu.memref_slice %arg2[%min3A_20, %dma_wait3A] : memref<20480x128xf32, #tpu.memory_space<hbm>> -> memref<256x128xf32, #tpu.memory_space<hbm>>
    tpu.wait_dma2 semaphore(%arg20 : memref<!tpu.dma_semaphore, #tpu.memory_space<semaphore_mem>>) src(%dma_wait3A_22 : memref<256x128xf32, #tpu.memory_space<hbm>>) dst(%arg19 : memref<256x128xf32, #tpu.memory_space<vmem>>)
    %get3A_23 = arith.constant 0 : index
    %get3A_24 = arith.constant 0 : index
    %get3A_25 = vector.load %arg19[%get3A_23, %get3A_24] : memref<256x128xf32, #tpu.memory_space<vmem>>, vector<256x128xf32>
    %iota3A = tpu.iota {dimensions = array<i32: 0>} : vector<256x1xi32>
    %iota3A_26 = tpu.iota {dimensions = array<i32: 0>} : vector<256x256xi32>
    %iota3A_27 = tpu.iota {dimensions = array<i32: 1>} : vector<256x256xi32>
    %broadcast_in_dim3A = arith.constant false
    %broadcast_in_dim3A_28 = vector.broadcast %broadcast_in_dim3A : i1 to vector<256x256xi1>
    %broadcast_in_dim3A_29 = arith.constant 0 : i32
    %broadcast_in_dim3A_30 = vector.broadcast %broadcast_in_dim3A_29 : i32 to vector<256x1xi32>
    %broadcast_in_dim3A_31 = arith.constant 0 : i32
    %broadcast_in_dim3A_32 = vector.broadcast %broadcast_in_dim3A_31 : i32 to vector<256x1xi32>
    %add3A = arith.constant 0 : i32
    %add3A_33 = arith.addi %mul3A_0, %add3A : i32
    %get3A_34 = arith.index_cast %add3A_33 : i32 to index
    %get3A_35 = memref.load %arg1[%get3A_34] : memref<1025xi32, #tpu.memory_space<smem>>
    %sub3A_36 = arith.subi %get3A_35, %min3A_20 : i32
    %add3A_37 = arith.constant 0 : i32
    %add3A_38 = arith.addi %mul3A_0, %add3A_37 : i32
    %add3A_39 = arith.constant 1 : i32
    %add3A_40 = arith.addi %add3A_38, %add3A_39 : i32
    %get3A_41 = arith.index_cast %add3A_40 : i32 to index
    %get3A_42 = memref.load %arg1[%get3A_41] : memref<1025xi32, #tpu.memory_space<smem>>
    %sub3A_43 = arith.subi %get3A_42, %min3A_20 : i32
    %ge3A = vector.broadcast %sub3A_36 : i32 to vector<256x1xi32>
    %ge3A_44 = arith.cmpi sge, %iota3A, %ge3A : vector<256x1xi32>
    %lt3A = vector.broadcast %sub3A_43 : i32 to vector<256x1xi32>
    %lt3A_45 = arith.cmpi slt, %iota3A, %lt3A : vector<256x1xi32>
    %and3A_46 = arith.andi %ge3A_44, %lt3A_45 : vector<256x1xi1>
    %ge3A_47 = vector.broadcast %sub3A_36 : i32 to vector<256x256xi32>
    %ge3A_48 = arith.cmpi sge, %iota3A_26, %ge3A_47 : vector<256x256xi32>
    %lt3A_49 = vector.broadcast %sub3A_43 : i32 to vector<256x256xi32>
    %lt3A_50 = arith.cmpi slt, %iota3A_26, %lt3A_49 : vector<256x256xi32>
    %and3A_51 = arith.andi %ge3A_48, %lt3A_50 : vector<256x256xi1>
    %ge3A_52 = vector.broadcast %sub3A_36 : i32 to vector<256x256xi32>
    %ge3A_53 = arith.cmpi sge, %iota3A_27, %ge3A_52 : vector<256x256xi32>
    %and3A_54 = arith.andi %and3A_51, %ge3A_53 : vector<256x256xi1>
    %lt3A_55 = vector.broadcast %sub3A_43 : i32 to vector<256x256xi32>
    %lt3A_56 = arith.cmpi slt, %iota3A_27, %lt3A_55 : vector<256x256xi32>
    %and3A_57 = arith.andi %and3A_54, %lt3A_56 : vector<256x256xi1>
    %or3A = arith.ori %broadcast_in_dim3A_28, %and3A_57 : vector<256x256xi1>
    %sub3A_58 = vector.broadcast %sub3A_36 : i32 to vector<256x1xi32>
    %sub3A_59 = arith.subi %iota3A, %sub3A_58 : vector<256x1xi32>
    %select_n3A_60 = arith.select %and3A_46, %sub3A_59, %broadcast_in_dim3A_30 : vector<256x1xi1>, vector<256x1xi32>
    %jit3A_61 = arith.constant 0 : i32
    %broadcast_in_dim3A_62 = vector.broadcast %jit3A_61 : i32 to vector<256x1xi32>
    %select_n3A_63 = arith.select %and3A_46, %broadcast_in_dim3A_62, %broadcast_in_dim3A_32 : vector<256x1xi1>, vector<256x1xi32>
    %add3A_64 = arith.constant 1 : i32
    %add3A_65 = arith.addi %mul3A_0, %add3A_64 : i32
    %get3A_66 = arith.index_cast %add3A_65 : i32 to index
    %get3A_67 = memref.load %arg1[%get3A_66] : memref<1025xi32, #tpu.memory_space<smem>>
    %sub3A_68 = arith.subi %get3A_67, %min3A_20 : i32
    %add3A_69 = arith.constant 1 : i32
    %add3A_70 = arith.addi %mul3A_0, %add3A_69 : i32
    %add3A_71 = arith.constant 1 : i32
    %add3A_72 = arith.addi %add3A_70, %add3A_71 : i32
    %get3A_73 = arith.index_cast %add3A_72 : i32 to index
    %get3A_74 = memref.load %arg1[%get3A_73] : memref<1025xi32, #tpu.memory_space<smem>>
    %sub3A_75 = arith.subi %get3A_74, %min3A_20 : i32
    %ge3A_76 = vector.broadcast %sub3A_68 : i32 to vector<256x1xi32>
    %ge3A_77 = arith.cmpi sge, %iota3A, %ge3A_76 : vector<256x1xi32>
    %lt3A_78 = vector.broadcast %sub3A_75 : i32 to vector<256x1xi32>
    %lt3A_79 = arith.cmpi slt, %iota3A, %lt3A_78 : vector<256x1xi32>
    %and3A_80 = arith.andi %ge3A_77, %lt3A_79 : vector<256x1xi1>
    %ge3A_81 = vector.broadcast %sub3A_68 : i32 to vector<256x256xi32>
    %ge3A_82 = arith.cmpi sge, %iota3A_26, %ge3A_81 : vector<256x256xi32>
    %lt3A_83 = vector.broadcast %sub3A_75 : i32 to vector<256x256xi32>
    %lt3A_84 = arith.cmpi slt, %iota3A_26, %lt3A_83 : vector<256x256xi32>
    %and3A_85 = arith.andi %ge3A_82, %lt3A_84 : vector<256x256xi1>
    %ge3A_86 = vector.broadcast %sub3A_68 : i32 to vector<256x256xi32>
    %ge3A_87 = arith.cmpi sge, %iota3A_27, %ge3A_86 : vector<256x256xi32>
    %and3A_88 = arith.andi %and3A_85, %ge3A_87 : vector<256x256xi1>
    %lt3A_89 = vector.broadcast %sub3A_75 : i32 to vector<256x256xi32>
    %lt3A_90 = arith.cmpi slt, %iota3A_27, %lt3A_89 : vector<256x256xi32>
    %and3A_91 = arith.andi %and3A_88, %lt3A_90 : vector<256x256xi1>
    %or3A_92 = arith.ori %or3A, %and3A_91 : vector<256x256xi1>
    %sub3A_93 = vector.broadcast %sub3A_68 : i32 to vector<256x1xi32>
    %sub3A_94 = arith.subi %iota3A, %sub3A_93 : vector<256x1xi32>
    %select_n3A_95 = arith.select %and3A_80, %sub3A_94, %select_n3A_60 : vector<256x1xi1>, vector<256x1xi32>
    %jit3A_96 = arith.constant 1 : i32
    %broadcast_in_dim3A_97 = vector.broadcast %jit3A_96 : i32 to vector<256x1xi32>
    %select_n3A_98 = arith.select %and3A_80, %broadcast_in_dim3A_97, %select_n3A_63 : vector<256x1xi1>, vector<256x1xi32>
    %add3A_99 = arith.constant 2 : i32
    %add3A_100 = arith.addi %mul3A_0, %add3A_99 : i32
    %get3A_101 = arith.index_cast %add3A_100 : i32 to index
    %get3A_102 = memref.load %arg1[%get3A_101] : memref<1025xi32, #tpu.memory_space<smem>>
    %sub3A_103 = arith.subi %get3A_102, %min3A_20 : i32
    %add3A_104 = arith.constant 2 : i32
    %add3A_105 = arith.addi %mul3A_0, %add3A_104 : i32
    %add3A_106 = arith.constant 1 : i32
    %add3A_107 = arith.addi %add3A_105, %add3A_106 : i32
    %get3A_108 = arith.index_cast %add3A_107 : i32 to index
    %get3A_109 = memref.load %arg1[%get3A_108] : memref<1025xi32, #tpu.memory_space<smem>>
    %sub3A_110 = arith.subi %get3A_109, %min3A_20 : i32
    %ge3A_111 = vector.broadcast %sub3A_103 : i32 to vector<256x1xi32>
    %ge3A_112 = arith.cmpi sge, %iota3A, %ge3A_111 : vector<256x1xi32>
    %lt3A_113 = vector.broadcast %sub3A_110 : i32 to vector<256x1xi32>
    %lt3A_114 = arith.cmpi slt, %iota3A, %lt3A_113 : vector<256x1xi32>
    %and3A_115 = arith.andi %ge3A_112, %lt3A_114 : vector<256x1xi1>
    %ge3A_116 = vector.broadcast %sub3A_103 : i32 to vector<256x256xi32>
    %ge3A_117 = arith.cmpi sge, %iota3A_26, %ge3A_116 : vector<256x256xi32>
    %lt3A_118 = vector.broadcast %sub3A_110 : i32 to vector<256x256xi32>
    %lt3A_119 = arith.cmpi slt, %iota3A_26, %lt3A_118 : vector<256x256xi32>
    %and3A_120 = arith.andi %ge3A_117, %lt3A_119 : vector<256x256xi1>
    %ge3A_121 = vector.broadcast %sub3A_103 : i32 to vector<256x256xi32>
    %ge3A_122 = arith.cmpi sge, %iota3A_27, %ge3A_121 : vector<256x256xi32>
    %and3A_123 = arith.andi %and3A_120, %ge3A_122 : vector<256x256xi1>
    %lt3A_124 = vector.broadcast %sub3A_110 : i32 to vector<256x256xi32>
    %lt3A_125 = arith.cmpi slt, %iota3A_27, %lt3A_124 : vector<256x256xi32>
    %and3A_126 = arith.andi %and3A_123, %lt3A_125 : vector<256x256xi1>
    %or3A_127 = arith.ori %or3A_92, %and3A_126 : vector<256x256xi1>
    %sub3A_128 = vector.broadcast %sub3A_103 : i32 to vector<256x1xi32>
    %sub3A_129 = arith.subi %iota3A, %sub3A_128 : vector<256x1xi32>
    %select_n3A_130 = arith.select %and3A_115, %sub3A_129, %select_n3A_95 : vector<256x1xi1>, vector<256x1xi32>
    %jit3A_131 = arith.constant 2 : i32
    %broadcast_in_dim3A_132 = vector.broadcast %jit3A_131 : i32 to vector<256x1xi32>
    %select_n3A_133 = arith.select %and3A_115, %broadcast_in_dim3A_132, %select_n3A_98 : vector<256x1xi1>, vector<256x1xi32>
    %add3A_134 = arith.constant 3 : i32
    %add3A_135 = arith.addi %mul3A_0, %add3A_134 : i32
    %get3A_136 = arith.index_cast %add3A_135 : i32 to index
    %get3A_137 = memref.load %arg1[%get3A_136] : memref<1025xi32, #tpu.memory_space<smem>>
    %sub3A_138 = arith.subi %get3A_137, %min3A_20 : i32
    %add3A_139 = arith.constant 3 : i32
    %add3A_140 = arith.addi %mul3A_0, %add3A_139 : i32
    %add3A_141 = arith.constant 1 : i32
    %add3A_142 = arith.addi %add3A_140, %add3A_141 : i32
    %get3A_143 = arith.index_cast %add3A_142 : i32 to index
    %get3A_144 = memref.load %arg1[%get3A_143] : memref<1025xi32, #tpu.memory_space<smem>>
    %sub3A_145 = arith.subi %get3A_144, %min3A_20 : i32
    %ge3A_146 = vector.broadcast %sub3A_138 : i32 to vector<256x1xi32>
    %ge3A_147 = arith.cmpi sge, %iota3A, %ge3A_146 : vector<256x1xi32>
    %lt3A_148 = vector.broadcast %sub3A_145 : i32 to vector<256x1xi32>
    %lt3A_149 = arith.cmpi slt, %iota3A, %lt3A_148 : vector<256x1xi32>
    %and3A_150 = arith.andi %ge3A_147, %lt3A_149 : vector<256x1xi1>
    %ge3A_151 = vector.broadcast %sub3A_138 : i32 to vector<256x256xi32>
    %ge3A_152 = arith.cmpi sge, %iota3A_26, %ge3A_151 : vector<256x256xi32>
    %lt3A_153 = vector.broadcast %sub3A_145 : i32 to vector<256x256xi32>
    %lt3A_154 = arith.cmpi slt, %iota3A_26, %lt3A_153 : vector<256x256xi32>
    %and3A_155 = arith.andi %ge3A_152, %lt3A_154 : vector<256x256xi1>
    %ge3A_156 = vector.broadcast %sub3A_138 : i32 to vector<256x256xi32>
    %ge3A_157 = arith.cmpi sge, %iota3A_27, %ge3A_156 : vector<256x256xi32>
    %and3A_158 = arith.andi %and3A_155, %ge3A_157 : vector<256x256xi1>
    %lt3A_159 = vector.broadcast %sub3A_145 : i32 to vector<256x256xi32>
    %lt3A_160 = arith.cmpi slt, %iota3A_27, %lt3A_159 : vector<256x256xi32>
    %and3A_161 = arith.andi %and3A_158, %lt3A_160 : vector<256x256xi1>
    %or3A_162 = arith.ori %or3A_127, %and3A_161 : vector<256x256xi1>
    %sub3A_163 = vector.broadcast %sub3A_138 : i32 to vector<256x1xi32>
    %sub3A_164 = arith.subi %iota3A, %sub3A_163 : vector<256x1xi32>
    %select_n3A_165 = arith.select %and3A_150, %sub3A_164, %select_n3A_130 : vector<256x1xi1>, vector<256x1xi32>
    %jit3A_166 = arith.constant 3 : i32
    %broadcast_in_dim3A_167 = vector.broadcast %jit3A_166 : i32 to vector<256x1xi32>
    %select_n3A_168 = arith.select %and3A_150, %broadcast_in_dim3A_167, %select_n3A_133 : vector<256x1xi1>, vector<256x1xi32>
    %add3A_169 = arith.constant 4 : i32
    %add3A_170 = arith.addi %mul3A_0, %add3A_169 : i32
    %get3A_171 = arith.index_cast %add3A_170 : i32 to index
    %get3A_172 = memref.load %arg1[%get3A_171] : memref<1025xi32, #tpu.memory_space<smem>>
    %sub3A_173 = arith.subi %get3A_172, %min3A_20 : i32
    %add3A_174 = arith.constant 4 : i32
    %add3A_175 = arith.addi %mul3A_0, %add3A_174 : i32
    %add3A_176 = arith.constant 1 : i32
    %add3A_177 = arith.addi %add3A_175, %add3A_176 : i32
    %get3A_178 = arith.index_cast %add3A_177 : i32 to index
    %get3A_179 = memref.load %arg1[%get3A_178] : memref<1025xi32, #tpu.memory_space<smem>>
    %sub3A_180 = arith.subi %get3A_179, %min3A_20 : i32
    %ge3A_181 = vector.broadcast %sub3A_173 : i32 to vector<256x1xi32>
    %ge3A_182 = arith.cmpi sge, %iota3A, %ge3A_181 : vector<256x1xi32>
    %lt3A_183 = vector.broadcast %sub3A_180 : i32 to vector<256x1xi32>
    %lt3A_184 = arith.cmpi slt, %iota3A, %lt3A_183 : vector<256x1xi32>
    %and3A_185 = arith.andi %ge3A_182, %lt3A_184 : vector<256x1xi1>
    %ge3A_186 = vector.broadcast %sub3A_173 : i32 to vector<256x256xi32>
    %ge3A_187 = arith.cmpi sge, %iota3A_26, %ge3A_186 : vector<256x256xi32>
    %lt3A_188 = vector.broadcast %sub3A_180 : i32 to vector<256x256xi32>
    %lt3A_189 = arith.cmpi slt, %iota3A_26, %lt3A_188 : vector<256x256xi32>
    %and3A_190 = arith.andi %ge3A_187, %lt3A_189 : vector<256x256xi1>
    %ge3A_191 = vector.broadcast %sub3A_173 : i32 to vector<256x256xi32>
    %ge3A_192 = arith.cmpi sge, %iota3A_27, %ge3A_191 : vector<256x256xi32>
    %and3A_193 = arith.andi %and3A_190, %ge3A_192 : vector<256x256xi1>
    %lt3A_194 = vector.broadcast %sub3A_180 : i32 to vector<256x256xi32>
    %lt3A_195 = arith.cmpi slt, %iota3A_27, %lt3A_194 : vector<256x256xi32>
    %and3A_196 = arith.andi %and3A_193, %lt3A_195 : vector<256x256xi1>
    %or3A_197 = arith.ori %or3A_162, %and3A_196 : vector<256x256xi1>
    %sub3A_198 = vector.broadcast %sub3A_173 : i32 to vector<256x1xi32>
    %sub3A_199 = arith.subi %iota3A, %sub3A_198 : vector<256x1xi32>
    %select_n3A_200 = arith.select %and3A_185, %sub3A_199, %select_n3A_165 : vector<256x1xi1>, vector<256x1xi32>
    %jit3A_201 = arith.constant 4 : i32
    %broadcast_in_dim3A_202 = vector.broadcast %jit3A_201 : i32 to vector<256x1xi32>
    %select_n3A_203 = arith.select %and3A_185, %broadcast_in_dim3A_202, %select_n3A_168 : vector<256x1xi1>, vector<256x1xi32>
    %add3A_204 = arith.constant 5 : i32
    %add3A_205 = arith.addi %mul3A_0, %add3A_204 : i32
    %get3A_206 = arith.index_cast %add3A_205 : i32 to index
    %get3A_207 = memref.load %arg1[%get3A_206] : memref<1025xi32, #tpu.memory_space<smem>>
    %sub3A_208 = arith.subi %get3A_207, %min3A_20 : i32
    %add3A_209 = arith.constant 5 : i32
    %add3A_210 = arith.addi %mul3A_0, %add3A_209 : i32
    %add3A_211 = arith.constant 1 : i32
    %add3A_212 = arith.addi %add3A_210, %add3A_211 : i32
    %get3A_213 = arith.index_cast %add3A_212 : i32 to index
    %get3A_214 = memref.load %arg1[%get3A_213] : memref<1025xi32, #tpu.memory_space<smem>>
    %sub3A_215 = arith.subi %get3A_214, %min3A_20 : i32
    %ge3A_216 = vector.broadcast %sub3A_208 : i32 to vector<256x1xi32>
    %ge3A_217 = arith.cmpi sge, %iota3A, %ge3A_216 : vector<256x1xi32>
    %lt3A_218 = vector.broadcast %sub3A_215 : i32 to vector<256x1xi32>
    %lt3A_219 = arith.cmpi slt, %iota3A, %lt3A_218 : vector<256x1xi32>
    %and3A_220 = arith.andi %ge3A_217, %lt3A_219 : vector<256x1xi1>
    %ge3A_221 = vector.broadcast %sub3A_208 : i32 to vector<256x256xi32>
    %ge3A_222 = arith.cmpi sge, %iota3A_26, %ge3A_221 : vector<256x256xi32>
    %lt3A_223 = vector.broadcast %sub3A_215 : i32 to vector<256x256xi32>
    %lt3A_224 = arith.cmpi slt, %iota3A_26, %lt3A_223 : vector<256x256xi32>
    %and3A_225 = arith.andi %ge3A_222, %lt3A_224 : vector<256x256xi1>
    %ge3A_226 = vector.broadcast %sub3A_208 : i32 to vector<256x256xi32>
    %ge3A_227 = arith.cmpi sge, %iota3A_27, %ge3A_226 : vector<256x256xi32>
    %and3A_228 = arith.andi %and3A_225, %ge3A_227 : vector<256x256xi1>
    %lt3A_229 = vector.broadcast %sub3A_215 : i32 to vector<256x256xi32>
    %lt3A_230 = arith.cmpi slt, %iota3A_27, %lt3A_229 : vector<256x256xi32>
    %and3A_231 = arith.andi %and3A_228, %lt3A_230 : vector<256x256xi1>
    %or3A_232 = arith.ori %or3A_197, %and3A_231 : vector<256x256xi1>
    %sub3A_233 = vector.broadcast %sub3A_208 : i32 to vector<256x1xi32>
    %sub3A_234 = arith.subi %iota3A, %sub3A_233 : vector<256x1xi32>
    %select_n3A_235 = arith.select %and3A_220, %sub3A_234, %select_n3A_200 : vector<256x1xi1>, vector<256x1xi32>
    %jit3A_236 = arith.constant 5 : i32
    %broadcast_in_dim3A_237 = vector.broadcast %jit3A_236 : i32 to vector<256x1xi32>
    %select_n3A_238 = arith.select %and3A_220, %broadcast_in_dim3A_237, %select_n3A_203 : vector<256x1xi1>, vector<256x1xi32>
    %add3A_239 = arith.constant 6 : i32
    %add3A_240 = arith.addi %mul3A_0, %add3A_239 : i32
    %get3A_241 = arith.index_cast %add3A_240 : i32 to index
    %get3A_242 = memref.load %arg1[%get3A_241] : memref<1025xi32, #tpu.memory_space<smem>>
    %sub3A_243 = arith.subi %get3A_242, %min3A_20 : i32
    %add3A_244 = arith.constant 6 : i32
    %add3A_245 = arith.addi %mul3A_0, %add3A_244 : i32
    %add3A_246 = arith.constant 1 : i32
    %add3A_247 = arith.addi %add3A_245, %add3A_246 : i32
    %get3A_248 = arith.index_cast %add3A_247 : i32 to index
    %get3A_249 = memref.load %arg1[%get3A_248] : memref<1025xi32, #tpu.memory_space<smem>>
    %sub3A_250 = arith.subi %get3A_249, %min3A_20 : i32
    %ge3A_251 = vector.broadcast %sub3A_243 : i32 to vector<256x1xi32>
    %ge3A_252 = arith.cmpi sge, %iota3A, %ge3A_251 : vector<256x1xi32>
    %lt3A_253 = vector.broadcast %sub3A_250 : i32 to vector<256x1xi32>
    %lt3A_254 = arith.cmpi slt, %iota3A, %lt3A_253 : vector<256x1xi32>
    %and3A_255 = arith.andi %ge3A_252, %lt3A_254 : vector<256x1xi1>
    %ge3A_256 = vector.broadcast %sub3A_243 : i32 to vector<256x256xi32>
    %ge3A_257 = arith.cmpi sge, %iota3A_26, %ge3A_256 : vector<256x256xi32>
    %lt3A_258 = vector.broadcast %sub3A_250 : i32 to vector<256x256xi32>
    %lt3A_259 = arith.cmpi slt, %iota3A_26, %lt3A_258 : vector<256x256xi32>
    %and3A_260 = arith.andi %ge3A_257, %lt3A_259 : vector<256x256xi1>
    %ge3A_261 = vector.broadcast %sub3A_243 : i32 to vector<256x256xi32>
    %ge3A_262 = arith.cmpi sge, %iota3A_27, %ge3A_261 : vector<256x256xi32>
    %and3A_263 = arith.andi %and3A_260, %ge3A_262 : vector<256x256xi1>
    %lt3A_264 = vector.broadcast %sub3A_250 : i32 to vector<256x256xi32>
    %lt3A_265 = arith.cmpi slt, %iota3A_27, %lt3A_264 : vector<256x256xi32>
    %and3A_266 = arith.andi %and3A_263, %lt3A_265 : vector<256x256xi1>
    %or3A_267 = arith.ori %or3A_232, %and3A_266 : vector<256x256xi1>
    %sub3A_268 = vector.broadcast %sub3A_243 : i32 to vector<256x1xi32>
    %sub3A_269 = arith.subi %iota3A, %sub3A_268 : vector<256x1xi32>
    %select_n3A_270 = arith.select %and3A_255, %sub3A_269, %select_n3A_235 : vector<256x1xi1>, vector<256x1xi32>
    %jit3A_271 = arith.constant 6 : i32
    %broadcast_in_dim3A_272 = vector.broadcast %jit3A_271 : i32 to vector<256x1xi32>
    %select_n3A_273 = arith.select %and3A_255, %broadcast_in_dim3A_272, %select_n3A_238 : vector<256x1xi1>, vector<256x1xi32>
    %add3A_274 = arith.constant 7 : i32
    %add3A_275 = arith.addi %mul3A_0, %add3A_274 : i32
    %get3A_276 = arith.index_cast %add3A_275 : i32 to index
    %get3A_277 = memref.load %arg1[%get3A_276] : memref<1025xi32, #tpu.memory_space<smem>>
    %sub3A_278 = arith.subi %get3A_277, %min3A_20 : i32
    %add3A_279 = arith.constant 7 : i32
    %add3A_280 = arith.addi %mul3A_0, %add3A_279 : i32
    %add3A_281 = arith.constant 1 : i32
    %add3A_282 = arith.addi %add3A_280, %add3A_281 : i32
    %get3A_283 = arith.index_cast %add3A_282 : i32 to index
    %get3A_284 = memref.load %arg1[%get3A_283] : memref<1025xi32, #tpu.memory_space<smem>>
    %sub3A_285 = arith.subi %get3A_284, %min3A_20 : i32
    %ge3A_286 = vector.broadcast %sub3A_278 : i32 to vector<256x1xi32>
    %ge3A_287 = arith.cmpi sge, %iota3A, %ge3A_286 : vector<256x1xi32>
    %lt3A_288 = vector.broadcast %sub3A_285 : i32 to vector<256x1xi32>
    %lt3A_289 = arith.cmpi slt, %iota3A, %lt3A_288 : vector<256x1xi32>
    %and3A_290 = arith.andi %ge3A_287, %lt3A_289 : vector<256x1xi1>
    %ge3A_291 = vector.broadcast %sub3A_278 : i32 to vector<256x256xi32>
    %ge3A_292 = arith.cmpi sge, %iota3A_26, %ge3A_291 : vector<256x256xi32>
    %lt3A_293 = vector.broadcast %sub3A_285 : i32 to vector<256x256xi32>
    %lt3A_294 = arith.cmpi slt, %iota3A_26, %lt3A_293 : vector<256x256xi32>
    %and3A_295 = arith.andi %ge3A_292, %lt3A_294 : vector<256x256xi1>
    %ge3A_296 = vector.broadcast %sub3A_278 : i32 to vector<256x256xi32>
    %ge3A_297 = arith.cmpi sge, %iota3A_27, %ge3A_296 : vector<256x256xi32>
    %and3A_298 = arith.andi %and3A_295, %ge3A_297 : vector<256x256xi1>
    %lt3A_299 = vector.broadcast %sub3A_285 : i32 to vector<256x256xi32>
    %lt3A_300 = arith.cmpi slt, %iota3A_27, %lt3A_299 : vector<256x256xi32>
    %and3A_301 = arith.andi %and3A_298, %lt3A_300 : vector<256x256xi1>
    %or3A_302 = arith.ori %or3A_267, %and3A_301 : vector<256x256xi1>
    %sub3A_303 = vector.broadcast %sub3A_278 : i32 to vector<256x1xi32>
    %sub3A_304 = arith.subi %iota3A, %sub3A_303 : vector<256x1xi32>
    %select_n3A_305 = arith.select %and3A_290, %sub3A_304, %select_n3A_270 : vector<256x1xi1>, vector<256x1xi32>
    %jit3A_306 = arith.constant 7 : i32
    %broadcast_in_dim3A_307 = vector.broadcast %jit3A_306 : i32 to vector<256x1xi32>
    %select_n3A_308 = arith.select %and3A_290, %broadcast_in_dim3A_307, %select_n3A_273 : vector<256x1xi1>, vector<256x1xi32>
    %min3A_309 = arith.constant 127 : i32
    %min3A_310 = vector.broadcast %min3A_309 : i32 to vector<256x1xi32>
    %min3A_311 = arith.minsi %select_n3A_305, %min3A_310 : vector<256x1xi32>
    %iota3A_312 = tpu.iota {dimensions = array<i32: 1>} : vector<256x128xi32>
    %eq3A = vector.broadcast %min3A_311 : vector<256x1xi32> to vector<256x128xi32>
    %eq3A_313 = arith.cmpi eq, %eq3A, %iota3A_312 : vector<256x128xi32>
    %convert_element_type3A = arith.extui %eq3A_313 : vector<256x128xi1> to vector<256x128xi32>
    %convert_element_type3A_314 = arith.sitofp %convert_element_type3A : vector<256x128xi32> to vector<256x128xf32>
    %get3A_315 = arith.constant 0 : index
    %get3A_316 = arith.constant 0 : index
    %get3A_317 = vector.load %arg8[%get3A_315, %get3A_316] : memref<128x128xf32, #tpu.memory_space<vmem>>, vector<128x128xf32>
    %dot_general3A = arith.constant dense<0.000000e+00> : vector<256x128xf32>
    %dot_general3A_318 = tpu.matmul %convert_element_type3A_314, %get3A_317, %dot_general3A {dimension_numbers = #tpu.dot_dimension_numbers<[1], [0], [0], [1], [0, 0, 1, 1], [], []>, transpose_lhs_hint = false} : vector<256x128xf32>, vector<128x128xf32>, vector<256x128xf32> -> vector<256x128xf32>
    %add3A_319 = arith.addf %get3A_25, %dot_general3A_318 : vector<256x128xf32>
    %get3A_320 = arith.constant 0 : index
    %get3A_321 = arith.constant 0 : index
    %get3A_322 = vector.load %arg4[%get3A_320, %get3A_321] : memref<128x128xf32, #tpu.memory_space<vmem>>, vector<128x128xf32>
    %dot_general3A_323 = arith.constant dense<0.000000e+00> : vector<256x128xf32>
    %dot_general3A_324 = tpu.matmul %add3A_319, %get3A_322, %dot_general3A_323 {dimension_numbers = #tpu.dot_dimension_numbers<[1], [0], [0], [1], [0, 0, 1, 1], [], []>, transpose_lhs_hint = false} : vector<256x128xf32>, vector<128x128xf32>, vector<256x128xf32> -> vector<256x128xf32>
    %get3A_325 = arith.constant 0 : index
    %get3A_326 = arith.constant 0 : index
    %get3A_327 = vector.load %arg5[%get3A_325, %get3A_326] : memref<128x128xf32, #tpu.memory_space<vmem>>, vector<128x128xf32>
    %dot_general3A_328 = arith.constant dense<0.000000e+00> : vector<256x128xf32>
    %dot_general3A_329 = tpu.matmul %add3A_319, %get3A_327, %dot_general3A_328 {dimension_numbers = #tpu.dot_dimension_numbers<[1], [0], [0], [1], [0, 0, 1, 1], [], []>, transpose_lhs_hint = false} : vector<256x128xf32>, vector<128x128xf32>, vector<256x128xf32> -> vector<256x128xf32>
    %get3A_330 = arith.constant 0 : index
    %get3A_331 = arith.constant 0 : index
    %get3A_332 = vector.load %arg6[%get3A_330, %get3A_331] : memref<128x128xf32, #tpu.memory_space<vmem>>, vector<128x128xf32>
    %dot_general3A_333 = arith.constant dense<0.000000e+00> : vector<256x128xf32>
    %dot_general3A_334 = tpu.matmul %add3A_319, %get3A_332, %dot_general3A_333 {dimension_numbers = #tpu.dot_dimension_numbers<[1], [0], [0], [1], [0, 0, 1, 1], [], []>, transpose_lhs_hint = false} : vector<256x128xf32>, vector<128x128xf32>, vector<256x128xf32> -> vector<256x128xf32>
    %dot_general3A_335 = arith.constant dense<0.000000e+00> : vector<256x256xf32>
    %dot_general3A_336 = tpu.matmul %dot_general3A_324, %dot_general3A_329, %dot_general3A_335 {dimension_numbers = #tpu.dot_dimension_numbers<[1], [1], [0], [0], [0, 0, 1, 0], [], []>, transpose_lhs_hint = false} : vector<256x128xf32>, vector<256x128xf32>, vector<256x256xf32> -> vector<256x256xf32>
    %mul3A_337 = arith.constant 0.0883883461 : f32
    %mul3A_338 = vector.broadcast %mul3A_337 : f32 to vector<256x256xf32>
    %mul3A_339 = arith.mulf %dot_general3A_336, %mul3A_338 : vector<256x256xf32>
    %jit3A_340 = arith.constant -1.000000e+09 : f32
    %broadcast_in_dim3A_341 = vector.broadcast %jit3A_340 : f32 to vector<256x256xf32>
    %select_n3A_342 = arith.select %or3A_302, %mul3A_339, %broadcast_in_dim3A_341 : vector<256x256xi1>, vector<256x256xf32>
    %reduce_max3A = arith.constant dense<0xFF800000> : vector<256xf32>
    %reduce_max3A_343 = vector.multi_reduction <maximumf>, %select_n3A_342, %reduce_max3A [1] : vector<256x256xf32> to vector<256xf32>
    %broadcast_in_dim3A_344 = vector.shape_cast %reduce_max3A_343 : vector<256xf32> to vector<256x1xf32>
    %sub3A_345 = vector.broadcast %broadcast_in_dim3A_344 : vector<256x1xf32> to vector<256x256xf32>
    %sub3A_346 = arith.subf %select_n3A_342, %sub3A_345 : vector<256x256xf32>
    %exp3A = math.exp %sub3A_346 : vector<256x256xf32>
    %reduce_sum3A = arith.constant dense<0.000000e+00> : vector<256xf32>
    %reduce_sum3A_347 = vector.multi_reduction <add>, %exp3A, %reduce_sum3A [1] : vector<256x256xf32> to vector<256xf32>
    %broadcast_in_dim3A_348 = vector.shape_cast %reduce_sum3A_347 : vector<256xf32> to vector<256x1xf32>
    %div3A_349 = vector.broadcast %broadcast_in_dim3A_348 : vector<256x1xf32> to vector<256x256xf32>
    %div3A_350 = arith.divf %exp3A, %div3A_349 : vector<256x256xf32>
    %dot_general3A_351 = arith.constant dense<0.000000e+00> : vector<256x128xf32>
    %dot_general3A_352 = tpu.matmul %div3A_350, %dot_general3A_334, %dot_general3A_351 {dimension_numbers = #tpu.dot_dimension_numbers<[1], [0], [0], [1], [0, 0, 1, 1], [], []>, transpose_lhs_hint = false} : vector<256x256xf32>, vector<256x128xf32>, vector<256x128xf32> -> vector<256x128xf32>
    %get3A_353 = arith.constant 0 : index
    %get3A_354 = arith.constant 0 : index
    %get3A_355 = vector.load %arg7[%get3A_353, %get3A_354] : memref<128x128xf32, #tpu.memory_space<vmem>>, vector<128x128xf32>
    %dot_general3A_356 = arith.constant dense<0.000000e+00> : vector<256x128xf32>
    %dot_general3A_357 = tpu.matmul %dot_general3A_352, %get3A_355, %dot_general3A_356 {dimension_numbers = #tpu.dot_dimension_numbers<[1], [0], [0], [1], [0, 0, 1, 1], [], []>, transpose_lhs_hint = false} : vector<256x128xf32>, vector<128x128xf32>, vector<256x128xf32> -> vector<256x128xf32>
    %add3A_358 = arith.addf %get3A_25, %dot_general3A_357 : vector<256x128xf32>
    %reduce_sum3A_359 = arith.constant dense<0.000000e+00> : vector<256xf32>
    %reduce_sum3A_360 = vector.multi_reduction <add>, %add3A_358, %reduce_sum3A_359 [1] : vector<256x128xf32> to vector<256xf32>
    %broadcast_in_dim3A_361 = vector.shape_cast %reduce_sum3A_360 : vector<256xf32> to vector<256x1xf32>
    %div3A_362 = arith.constant 1.280000e+02 : f32
    %div3A_363 = vector.broadcast %div3A_362 : f32 to vector<256x1xf32>
    %div3A_364 = arith.divf %broadcast_in_dim3A_361, %div3A_363 : vector<256x1xf32>
    %sub3A_365 = vector.broadcast %div3A_364 : vector<256x1xf32> to vector<256x128xf32>
    %sub3A_366 = arith.subf %add3A_358, %sub3A_365 : vector<256x128xf32>
    %integer_pow3A = arith.mulf %sub3A_366, %sub3A_366 : vector<256x128xf32>
    %reduce_sum3A_367 = arith.constant dense<0.000000e+00> : vector<256xf32>
    %reduce_sum3A_368 = vector.multi_reduction <add>, %integer_pow3A, %reduce_sum3A_367 [1] : vector<256x128xf32> to vector<256xf32>
    %broadcast_in_dim3A_369 = vector.shape_cast %reduce_sum3A_368 : vector<256xf32> to vector<256x1xf32>
    %div3A_370 = arith.constant 1.280000e+02 : f32
    %div3A_371 = vector.broadcast %div3A_370 : f32 to vector<256x1xf32>
    %div3A_372 = arith.divf %broadcast_in_dim3A_369, %div3A_371 : vector<256x1xf32>
    %sub3A_373 = vector.broadcast %div3A_364 : vector<256x1xf32> to vector<256x128xf32>
    %sub3A_374 = arith.subf %add3A_358, %sub3A_373 : vector<256x128xf32>
    %add3A_375 = arith.constant 9.99999974E-6 : f32
    %add3A_376 = vector.broadcast %add3A_375 : f32 to vector<256x1xf32>
    %add3A_377 = arith.addf %div3A_372, %add3A_376 : vector<256x1xf32>
    %rsqrt3A = math.rsqrt %add3A_377 : vector<256x1xf32>
    %mul3A_378 = vector.broadcast %rsqrt3A : vector<256x1xf32> to vector<256x128xf32>
    %mul3A_379 = arith.mulf %sub3A_374, %mul3A_378 : vector<256x128xf32>
    %get3A_380 = arith.constant 0 : index
    %get3A_381 = arith.constant 0 : index
    %get3A_382 = vector.load %arg9[%get3A_380, %get3A_381] : memref<1x128xf32, #tpu.memory_space<vmem>>, vector<1x128xf32>
    %mul3A_383 = vector.broadcast %get3A_382 : vector<1x128xf32> to vector<256x128xf32>
    %mul3A_384 = arith.mulf %mul3A_379, %mul3A_383 : vector<256x128xf32>
    %get3A_385 = arith.constant 0 : index
    %get3A_386 = arith.constant 0 : index
    %get3A_387 = vector.load %arg10[%get3A_385, %get3A_386] : memref<1x128xf32, #tpu.memory_space<vmem>>, vector<1x128xf32>
    %add3A_388 = vector.broadcast %get3A_387 : vector<1x128xf32> to vector<256x128xf32>
    %add3A_389 = arith.addf %mul3A_384, %add3A_388 : vector<256x128xf32>
    %get3A_390 = arith.constant 0 : index
    %get3A_391 = arith.constant 0 : index
    %get3A_392 = vector.load %arg3[%get3A_390, %get3A_391] : memref<8x128xf32, #tpu.memory_space<vmem>>, vector<8x128xf32>
    %get3A_393 = arith.constant 0 : index
    %get3A_394 = arith.constant 0 : index
    %get3A_395 = vector.load %arg11[%get3A_393, %get3A_394] : memref<128x16xf32, #tpu.memory_space<vmem>>, vector<128x16xf32>
    %dot_general3A_396 = arith.constant dense<0.000000e+00> : vector<8x16xf32>
    %dot_general3A_397 = tpu.matmul %get3A_392, %get3A_395, %dot_general3A_396 {dimension_numbers = #tpu.dot_dimension_numbers<[1], [0], [0], [1], [0, 0, 1, 1], [], []>, transpose_lhs_hint = false} : vector<8x128xf32>, vector<128x16xf32>, vector<8x16xf32> -> vector<8x16xf32>
    %get3A_398 = arith.constant 0 : index
    %get3A_399 = arith.constant 0 : index
    %get3A_400 = vector.load %arg12[%get3A_398, %get3A_399] : memref<1x16xf32, #tpu.memory_space<vmem>>, vector<1x16xf32>
    %add3A_401 = vector.broadcast %get3A_400 : vector<1x16xf32> to vector<8x16xf32>
    %add3A_402 = arith.addf %dot_general3A_397, %add3A_401 : vector<8x16xf32>
    %swap3A = arith.constant 0 : index
    %swap3A_403 = arith.constant 0 : index
    %swap3A_404 = vector.load %arg18[%swap3A, %swap3A_403] : memref<8x16xf32, #tpu.memory_space<vmem>>, vector<8x16xf32>
    tpu.vector_store %arg18[%swap3A, %swap3A_403], %add3A_402 {strides = array<i32>} : memref<8x16xf32, #tpu.memory_space<vmem>>, vector<8x16xf32>,
    %get3A_405 = arith.constant 0 : index
    %get3A_406 = arith.constant 0 : index
    %get3A_407 = vector.load %arg13[%get3A_405, %get3A_406] : memref<16x1xf32, #tpu.memory_space<vmem>>, vector<16x1xf32>
    %dot_general3A_408 = arith.constant dense<0.000000e+00> : vector<8x1xf32>
    %dot_general3A_409 = tpu.matmul %add3A_402, %get3A_407, %dot_general3A_408 {dimension_numbers = #tpu.dot_dimension_numbers<[1], [0], [0], [1], [0, 0, 1, 1], [], []>, transpose_lhs_hint = false} : vector<8x16xf32>, vector<16x1xf32>, vector<8x1xf32> -> vector<8x1xf32>
    %get3A_410 = arith.constant 0 : index
    %get3A_411 = arith.constant 0 : index
    %get3A_412 = vector.load %arg14[%get3A_410, %get3A_411] : memref<1x1xf32, #tpu.memory_space<vmem>>, vector<1x1xf32>
    %get3A_413 = vector.extract %get3A_412[0, 0] : f32 from vector<1x1xf32>
    %add3A_414 = vector.broadcast %get3A_413 : f32 to vector<8x1xf32>
    %add3A_415 = arith.addf %dot_general3A_409, %add3A_414 : vector<8x1xf32>
    %iota3A_416 = tpu.iota {dimensions = array<i32: 1>} : vector<256x8xi32>
    %eq3A_417 = vector.broadcast %select_n3A_308 : vector<256x1xi32> to vector<256x8xi32>
    %eq3A_418 = arith.cmpi eq, %eq3A_417, %iota3A_416 : vector<256x8xi32>
    %convert_element_type3A_419 = arith.extui %eq3A_418 : vector<256x8xi1> to vector<256x8xi32>
    %convert_element_type3A_420 = arith.sitofp %convert_element_type3A_419 : vector<256x8xi32> to vector<256x8xf32>
    %dot_general3A_421 = arith.constant dense<0.000000e+00> : vector<256x128xf32>
    %dot_general3A_422 = tpu.matmul %convert_element_type3A_420, %get3A_392, %dot_general3A_421 {dimension_numbers = #tpu.dot_dimension_numbers<[1], [0], [0], [1], [0, 0, 1, 1], [], []>, transpose_lhs_hint = false} : vector<256x8xf32>, vector<8x128xf32>, vector<256x128xf32> -> vector<256x128xf32>
    %dot_general3A_423 = arith.constant dense<0.000000e+00> : vector<256x1xf32>
    %dot_general3A_424 = tpu.matmul %convert_element_type3A_420, %add3A_415, %dot_general3A_423 {dimension_numbers = #tpu.dot_dimension_numbers<[1], [0], [0], [1], [0, 0, 1, 1], [], []>, transpose_lhs_hint = false} : vector<256x8xf32>, vector<8x1xf32>, vector<256x1xf32> -> vector<256x1xf32>
    %get3A_425 = arith.constant 0 : index
    %get3A_426 = arith.constant 0 : index
    %get3A_427 = vector.load %arg15[%get3A_425, %get3A_426] : memref<128x1xf32, #tpu.memory_space<vmem>>, vector<128x1xf32>
    %dot_general3A_428 = arith.constant dense<0.000000e+00> : vector<256x1xf32>
    %dot_general3A_429 = tpu.matmul %add3A_389, %get3A_427, %dot_general3A_428 {dimension_numbers = #tpu.dot_dimension_numbers<[1], [0], [0], [1], [0, 0, 1, 1], [], []>, transpose_lhs_hint = false} : vector<256x128xf32>, vector<128x1xf32>, vector<256x1xf32> -> vector<256x1xf32>
    %get3A_430 = arith.constant 0 : index
    %get3A_431 = arith.constant 0 : index
    %get3A_432 = vector.load %arg16[%get3A_430, %get3A_431] : memref<1x1xf32, #tpu.memory_space<vmem>>, vector<1x1xf32>
    %get3A_433 = vector.extract %get3A_432[0, 0] : f32 from vector<1x1xf32>
    %add3A_434 = vector.broadcast %get3A_433 : f32 to vector<256x1xf32>
    %add3A_435 = arith.addf %dot_general3A_429, %add3A_434 : vector<256x1xf32>
    %mul3A_436 = arith.mulf %dot_general3A_422, %add3A_389 : vector<256x128xf32>
    %reduce_sum3A_437 = arith.constant dense<0.000000e+00> : vector<256xf32>
    %reduce_sum3A_438 = vector.multi_reduction <add>, %mul3A_436, %reduce_sum3A_437 [1] : vector<256x128xf32> to vector<256xf32>
    %broadcast_in_dim3A_439 = vector.shape_cast %reduce_sum3A_438 : vector<256xf32> to vector<256x1xf32>
    %add3A_440 = arith.addf %add3A_435, %broadcast_in_dim3A_439 : vector<256x1xf32>
    %add3A_441 = arith.addf %add3A_440, %dot_general3A_424 : vector<256x1xf32>
    %swap3A_442 = arith.constant 0 : index
    %swap3A_443 = arith.constant 0 : index
    %swap3A_444 = vector.load %arg17[%swap3A_442, %swap3A_443] : memref<256x1xf32, #tpu.memory_space<vmem>>, vector<256x1xf32>
    tpu.vector_store %arg17[%swap3A_442, %swap3A_443], %add3A_441 {strides = array<i32>} : memref<256x1xf32, #tpu.memory_space<vmem>>, vector<256x1xf32>,
    return
  }
  func.func @transform_0(%arg0: i32) -> i32 {
    %c0_i32 = arith.constant 0 : i32
    %c0_i32_0 = arith.constant 0 : i32
    return %c0_i32 : i32
  }
  func.func @transform_2(%arg0: i32) -> (i32, i32) {
    %c0_i32 = arith.constant 0 : i32
    %c0_i32_0 = arith.constant 0 : i32
    return %arg0, %c0_i32 : i32, i32
  }
  func.func @transform_3(%arg0: i32) -> (i32, i32) {
    %c0_i32 = arith.constant 0 : i32
    %c0_i32_0 = arith.constant 0 : i32
    %c0_i32_1 = arith.constant 0 : i32
    return %c0_i32, %c0_i32_0 : i32, i32
  }
  func.func @transform_4(%arg0: i32) -> (i32, i32) {
    %c0_i32 = arith.constant 0 : i32
    %c0_i32_0 = arith.constant 0 : i32
    %c0_i32_1 = arith.constant 0 : i32
    return %c0_i32, %c0_i32_0 : i32, i32
  }
  func.func @transform_5(%arg0: i32) -> (i32, i32) {
    %c0_i32 = arith.constant 0 : i32
    %c0_i32_0 = arith.constant 0 : i32
    %c0_i32_1 = arith.constant 0 : i32
    return %c0_i32, %c0_i32_0 : i32, i32
  }
  func.func @transform_6(%arg0: i32) -> (i32, i32) {
    %c0_i32 = arith.constant 0 : i32
    %c0_i32_0 = arith.constant 0 : i32
    %c0_i32_1 = arith.constant 0 : i32
    return %c0_i32, %c0_i32_0 : i32, i32
  }
  func.func @transform_7(%arg0: i32) -> (i32, i32) {
    %c0_i32 = arith.constant 0 : i32
    %c0_i32_0 = arith.constant 0 : i32
    %c0_i32_1 = arith.constant 0 : i32
    return %c0_i32, %c0_i32_0 : i32, i32
  }
  func.func @transform_8(%arg0: i32) -> (i32, i32) {
    %c0_i32 = arith.constant 0 : i32
    %c0_i32_0 = arith.constant 0 : i32
    %c0_i32_1 = arith.constant 0 : i32
    return %c0_i32, %c0_i32_0 : i32, i32
  }
  func.func @transform_9(%arg0: i32) -> (i32, i32) {
    %c0_i32 = arith.constant 0 : i32
    %c0_i32_0 = arith.constant 0 : i32
    %c0_i32_1 = arith.constant 0 : i32
    return %c0_i32, %c0_i32_0 : i32, i32
  }
  func.func @transform_10(%arg0: i32) -> (i32, i32) {
    %c0_i32 = arith.constant 0 : i32
    %c0_i32_0 = arith.constant 0 : i32
    %c0_i32_1 = arith.constant 0 : i32
    return %c0_i32, %c0_i32_0 : i32, i32
  }
  func.func @transform_11(%arg0: i32) -> (i32, i32) {
    %c0_i32 = arith.constant 0 : i32
    %c0_i32_0 = arith.constant 0 : i32
    %c0_i32_1 = arith.constant 0 : i32
    return %c0_i32, %c0_i32_0 : i32, i32
  }
  func.func @transform_12(%arg0: i32) -> (i32, i32) {
    %c0_i32 = arith.constant 0 : i32
    %c0_i32_0 = arith.constant 0 : i32
    %c0_i32_1 = arith.constant 0 : i32
    return %c0_i32, %c0_i32_0 : i32, i32
  }
  func.func @transform_13(%arg0: i32) -> (i32, i32) {
    %c0_i32 = arith.constant 0 : i32
    %c0_i32_0 = arith.constant 0 : i32
    %c0_i32_1 = arith.constant 0 : i32
    return %c0_i32, %c0_i32_0 : i32, i32
  }
  func.func @transform_14(%arg0: i32) -> (i32, i32) {
    %c0_i32 = arith.constant 0 : i32
    %c0_i32_0 = arith.constant 0 : i32
    %c0_i32_1 = arith.constant 0 : i32
    return %c0_i32, %c0_i32_0 : i32, i32
  }
  func.func @transform_15(%arg0: i32) -> (i32, i32) {
    %c0_i32 = arith.constant 0 : i32
    %c0_i32_0 = arith.constant 0 : i32
    %c0_i32_1 = arith.constant 0 : i32
    return %c0_i32, %c0_i32_0 : i32, i32
  }
  func.func @transform_16(%arg0: i32) -> (i32, i32) {
    %c0_i32 = arith.constant 0 : i32
    %c0_i32_0 = arith.constant 0 : i32
    return %arg0, %c0_i32 : i32, i32
  }
  func.func @transform_17(%arg0: i32) -> (i32, i32) {
    %c0_i32 = arith.constant 0 : i32
    %c0_i32_0 = arith.constant 0 : i32
    return %arg0, %c0_i32 : i32, i32
  }
}

module attributes {stable_mosaic.version = 14 : i64} {
  func.func @_logits_kernel(%arg0: i32, %arg1: memref<32x16xf32, #tpu.memory_space<vmem>>, %arg2: memref<100096x16xbf16, #tpu.memory_space<vmem>>, %arg3: memref<16x1xf32, #tpu.memory_space<vmem>>, %arg4: memref<1x1xf32, #tpu.memory_space<vmem>>, %arg5: memref<102498304xf32, #tpu.memory_space<any>>, %arg6: memref<2x3203072xf32, #tpu.memory_space<vmem>>, %arg7: memref<2x!tpu.dma_semaphore, #tpu.memory_space<semaphore_mem>>) attributes {dimension_semantics = [#tpu.dimension_semantics<arbitrary>], iteration_bounds = array<i64: 32>, scalar_prefetch = 0 : i64, scratch_operands = 2 : i64, tpu.core_type = #tpu.core_type<tc>, window_params = [{transform_indices = @transform_0, window_bounds = array<i64: 32, 16>}, {pipeline_mode = #tpu.pipeline_mode<synchronous>, transform_indices = @transform_1, window_bounds = array<i64: 100096, 16>}, {pipeline_mode = #tpu.pipeline_mode<synchronous>, transform_indices = @transform_2, window_bounds = array<i64: 16, 1>}, {pipeline_mode = #tpu.pipeline_mode<synchronous>, transform_indices = @transform_3, window_bounds = array<i64: 1, 1>}, {}]} {
    %jit3A = arith.constant 2 : i32
    %eq3A = arith.constant 0 : i32
    %eq3A_0 = arith.cmpi eq, %jit3A, %eq3A : i32
    %jit3A_1 = arith.constant 1 : i32
    %select_n3A = arith.select %eq3A_0, %jit3A_1, %jit3A : i32
    %rem3A = arith.remsi %arg0, %select_n3A : i32
    %ne3A = arith.constant 0 : i32
    %ne3A_2 = arith.cmpi ne, %rem3A, %ne3A : i32
    %lt3A = arith.constant 0 : i32
    %lt3A_3 = arith.cmpi slt, %rem3A, %lt3A : i32
    %lt3A_4 = arith.constant 0 : i32
    %lt3A_5 = arith.cmpi slt, %select_n3A, %lt3A_4 : i32
    %ne3A_6 = arith.xori %lt3A_3, %lt3A_5 : i1
    %and3A = arith.andi %ne3A_6, %ne3A_2 : i1
    %add3A = arith.addi %rem3A, %select_n3A : i32
    %select_n3A_7 = arith.select %and3A, %add3A, %rem3A : i32
    %ge3A = arith.constant 2 : i32
    %ge3A_8 = arith.cmpi sge, %arg0, %ge3A : i32
    %convert_element_type3A = arith.extui %ge3A_8 : i1 to i32
    %cond3A = arith.constant 0 : i32
    %cond3A_9 = arith.cmpi ne, %convert_element_type3A, %cond3A : i32
    scf.if %cond3A_9 {
      %sub3A = arith.constant 2 : i32
      %sub3A_45 = arith.subi %arg0, %sub3A : i32
      %mul3A_46 = arith.constant 3203072 : i32
      %mul3A_47 = arith.muli %sub3A_45, %mul3A_46 : i32
      %multiple_of3A = tpu.assume_multiple %mul3A_47, 512 : i32
      %dma_wait3A = tpu.memref_slice %arg7[%select_n3A_7] : memref<2x!tpu.dma_semaphore, #tpu.memory_space<semaphore_mem>> -> memref<1x!tpu.dma_semaphore, #tpu.memory_space<semaphore_mem>>
      %dma_wait3A_48 = tpu.memref_squeeze %dma_wait3A : memref<1x!tpu.dma_semaphore, #tpu.memory_space<semaphore_mem>> -> memref<!tpu.dma_semaphore, #tpu.memory_space<semaphore_mem>>
      %dma_wait3A_49 = tpu.memref_slice %arg5[%multiple_of3A] : memref<102498304xf32, #tpu.memory_space<any>> -> memref<3203072xf32, #tpu.memory_space<any>>
      %dma_wait3A_50 = arith.constant 0 : i32
      %dma_wait3A_51 = tpu.memref_slice %arg6[%select_n3A_7, %dma_wait3A_50] : memref<2x3203072xf32, #tpu.memory_space<vmem>> -> memref<1x3203072xf32, #tpu.memory_space<vmem>>
      %dma_wait3A_52 = tpu.memref_squeeze %dma_wait3A_51 : memref<1x3203072xf32, #tpu.memory_space<vmem>> -> memref<3203072xf32, #tpu.memory_space<vmem>>
      tpu.wait_dma2 semaphore(%dma_wait3A_48 : memref<!tpu.dma_semaphore, #tpu.memory_space<semaphore_mem>>) src(%dma_wait3A_52 : memref<3203072xf32, #tpu.memory_space<vmem>>) dst(%dma_wait3A_49 : memref<3203072xf32, #tpu.memory_space<any>>)
    } else {
    }
    %get3A = arith.constant 0 : index
    %get3A_10 = arith.constant 0 : index
    %get3A_11 = vector.load %arg1[%get3A, %get3A_10] : memref<32x16xf32, #tpu.memory_space<vmem>>, vector<32x16xf32>
    %convert_element_type3A_12 = arith.truncf %get3A_11 : vector<32x16xf32> to vector<32x16xbf16>
    %get3A_13 = arith.constant 0 : index
    %get3A_14 = arith.constant 0 : index
    %get3A_15 = vector.load %arg2[%get3A_13, %get3A_14] : memref<100096x16xbf16, #tpu.memory_space<vmem>>, vector<100096x16xbf16>
    %dot_general3A = arith.constant dense<0.000000e+00> : vector<32x100096xf32>
    %dot_general3A_16 = tpu.matmul %convert_element_type3A_12, %get3A_15, %dot_general3A {dimension_numbers = #tpu.dot_dimension_numbers<[1], [1], [0], [0], [0, 0, 1, 0], [], []>, transpose_lhs_hint = false} : vector<32x16xbf16>, vector<100096x16xbf16>, vector<32x100096xf32> -> vector<32x100096xf32>
    %get3A_17 = arith.constant 0 : index
    %get3A_18 = arith.constant 0 : index
    %get3A_19 = vector.load %arg3[%get3A_17, %get3A_18] : memref<16x1xf32, #tpu.memory_space<vmem>>, vector<16x1xf32>
    %dot_general3A_20 = arith.constant dense<0.000000e+00> : vector<32x1xf32>
    %dot_general3A_21 = tpu.matmul %get3A_11, %get3A_19, %dot_general3A_20 {dimension_numbers = #tpu.dot_dimension_numbers<[1], [0], [0], [1], [0, 0, 1, 1], [], []>, transpose_lhs_hint = false} : vector<32x16xf32>, vector<16x1xf32>, vector<32x1xf32> -> vector<32x1xf32>
    %get3A_22 = arith.constant 0 : index
    %get3A_23 = arith.constant 0 : index
    %get3A_24 = vector.load %arg4[%get3A_22, %get3A_23] : memref<1x1xf32, #tpu.memory_space<vmem>>, vector<1x1xf32>
    %get3A_25 = vector.extract %get3A_24[0, 0] : f32 from vector<1x1xf32>
    %add3A_26 = vector.broadcast %get3A_25 : f32 to vector<32x1xf32>
    %add3A_27 = arith.addf %dot_general3A_21, %add3A_26 : vector<32x1xf32>
    %add3A_28 = vector.broadcast %add3A_27 : vector<32x1xf32> to vector<32x100096xf32>
    %add3A_29 = arith.addf %dot_general3A_16, %add3A_28 : vector<32x100096xf32>
    %reshape3A = vector.shape_cast %add3A_29 : vector<32x100096xf32> to vector<3203072xf32>
    %swap3A = arith.index_cast %select_n3A_7 : i32 to index
    %swap3A_30 = arith.constant 0 : index
    %swap3A_31 = vector.load %arg6[%swap3A, %swap3A_30] : memref<2x3203072xf32, #tpu.memory_space<vmem>>, vector<1x3203072xf32>
    %swap3A_32 = vector.shape_cast %swap3A_31 : vector<1x3203072xf32> to vector<3203072xf32>
    %swap3A_33 = vector.shape_cast %reshape3A : vector<3203072xf32> to vector<1x3203072xf32>
    tpu.vector_store %arg6[%swap3A, %swap3A_30], %swap3A_33 {strides = array<i32>} : memref<2x3203072xf32, #tpu.memory_space<vmem>>, vector<1x3203072xf32>,
    %mul3A = arith.constant 3203072 : i32
    %mul3A_34 = arith.muli %arg0, %mul3A : i32
    %dma_start3A = tpu.memref_slice %arg7[%select_n3A_7] : memref<2x!tpu.dma_semaphore, #tpu.memory_space<semaphore_mem>> -> memref<1x!tpu.dma_semaphore, #tpu.memory_space<semaphore_mem>>
    %dma_start3A_35 = tpu.memref_squeeze %dma_start3A : memref<1x!tpu.dma_semaphore, #tpu.memory_space<semaphore_mem>> -> memref<!tpu.dma_semaphore, #tpu.memory_space<semaphore_mem>>
    %dma_start3A_36 = tpu.memref_slice %arg5[%mul3A_34] : memref<102498304xf32, #tpu.memory_space<any>> -> memref<3203072xf32, #tpu.memory_space<any>>
    %dma_start3A_37 = arith.constant 0 : i32
    %dma_start3A_38 = tpu.memref_slice %arg6[%select_n3A_7, %dma_start3A_37] : memref<2x3203072xf32, #tpu.memory_space<vmem>> -> memref<1x3203072xf32, #tpu.memory_space<vmem>>
    %dma_start3A_39 = tpu.memref_squeeze %dma_start3A_38 : memref<1x3203072xf32, #tpu.memory_space<vmem>> -> memref<3203072xf32, #tpu.memory_space<vmem>>
    tpu.enqueue_dma source(%dma_start3A_39 : memref<3203072xf32, #tpu.memory_space<vmem>>) target(%dma_start3A_36 : memref<3203072xf32, #tpu.memory_space<any>>) target_semaphore(%dma_start3A_35 : memref<!tpu.dma_semaphore, #tpu.memory_space<semaphore_mem>>)
    %eq3A_40 = arith.constant 31 : i32
    %eq3A_41 = arith.cmpi eq, %arg0, %eq3A_40 : i32
    %convert_element_type3A_42 = arith.extui %eq3A_41 : i1 to i32
    %cond3A_43 = arith.constant 0 : i32
    %cond3A_44 = arith.cmpi ne, %convert_element_type3A_42, %cond3A_43 : i32
    scf.if %cond3A_44 {
      %dma_wait3A = arith.constant 0 : i32
      %dma_wait3A_45 = arith.constant 0 : i32
      %dma_wait3A_46 = tpu.memref_slice %arg7[%dma_wait3A_45] : memref<2x!tpu.dma_semaphore, #tpu.memory_space<semaphore_mem>> -> memref<1x!tpu.dma_semaphore, #tpu.memory_space<semaphore_mem>>
      %dma_wait3A_47 = tpu.memref_squeeze %dma_wait3A_46 : memref<1x!tpu.dma_semaphore, #tpu.memory_space<semaphore_mem>> -> memref<!tpu.dma_semaphore, #tpu.memory_space<semaphore_mem>>
      %dma_wait3A_48 = arith.constant 0 : i32
      %dma_wait3A_49 = tpu.memref_slice %arg5[%dma_wait3A_48] : memref<102498304xf32, #tpu.memory_space<any>> -> memref<3203072xf32, #tpu.memory_space<any>>
      %dma_wait3A_50 = arith.constant 0 : i32
      %dma_wait3A_51 = tpu.memref_slice %arg6[%dma_wait3A, %dma_wait3A_50] : memref<2x3203072xf32, #tpu.memory_space<vmem>> -> memref<1x3203072xf32, #tpu.memory_space<vmem>>
      %dma_wait3A_52 = tpu.memref_squeeze %dma_wait3A_51 : memref<1x3203072xf32, #tpu.memory_space<vmem>> -> memref<3203072xf32, #tpu.memory_space<vmem>>
      tpu.wait_dma2 semaphore(%dma_wait3A_47 : memref<!tpu.dma_semaphore, #tpu.memory_space<semaphore_mem>>) src(%dma_wait3A_52 : memref<3203072xf32, #tpu.memory_space<vmem>>) dst(%dma_wait3A_49 : memref<3203072xf32, #tpu.memory_space<any>>)
      %dma_wait3A_53 = arith.constant 1 : i32
      %dma_wait3A_54 = arith.constant 1 : i32
      %dma_wait3A_55 = tpu.memref_slice %arg7[%dma_wait3A_54] : memref<2x!tpu.dma_semaphore, #tpu.memory_space<semaphore_mem>> -> memref<1x!tpu.dma_semaphore, #tpu.memory_space<semaphore_mem>>
      %dma_wait3A_56 = tpu.memref_squeeze %dma_wait3A_55 : memref<1x!tpu.dma_semaphore, #tpu.memory_space<semaphore_mem>> -> memref<!tpu.dma_semaphore, #tpu.memory_space<semaphore_mem>>
      %dma_wait3A_57 = arith.constant 0 : i32
      %dma_wait3A_58 = tpu.memref_slice %arg5[%dma_wait3A_57] : memref<102498304xf32, #tpu.memory_space<any>> -> memref<3203072xf32, #tpu.memory_space<any>>
      %dma_wait3A_59 = arith.constant 0 : i32
      %dma_wait3A_60 = tpu.memref_slice %arg6[%dma_wait3A_53, %dma_wait3A_59] : memref<2x3203072xf32, #tpu.memory_space<vmem>> -> memref<1x3203072xf32, #tpu.memory_space<vmem>>
      %dma_wait3A_61 = tpu.memref_squeeze %dma_wait3A_60 : memref<1x3203072xf32, #tpu.memory_space<vmem>> -> memref<3203072xf32, #tpu.memory_space<vmem>>
      tpu.wait_dma2 semaphore(%dma_wait3A_56 : memref<!tpu.dma_semaphore, #tpu.memory_space<semaphore_mem>>) src(%dma_wait3A_61 : memref<3203072xf32, #tpu.memory_space<vmem>>) dst(%dma_wait3A_58 : memref<3203072xf32, #tpu.memory_space<any>>)
    } else {
    }
    return
  }
  func.func @transform_0(%arg0: i32) -> (i32, i32) {
    %c0_i32 = arith.constant 0 : i32
    %c0_i32_0 = arith.constant 0 : i32
    return %arg0, %c0_i32 : i32, i32
  }
  func.func @transform_1(%arg0: i32) -> (i32, i32) {
    %c0_i32 = arith.constant 0 : i32
    %c0_i32_0 = arith.constant 0 : i32
    %c0_i32_1 = arith.constant 0 : i32
    return %c0_i32, %c0_i32_0 : i32, i32
  }
  func.func @transform_2(%arg0: i32) -> (i32, i32) {
    %c0_i32 = arith.constant 0 : i32
    %c0_i32_0 = arith.constant 0 : i32
    %c0_i32_1 = arith.constant 0 : i32
    return %c0_i32, %c0_i32_0 : i32, i32
  }
  func.func @transform_3(%arg0: i32) -> (i32, i32) {
    %c0_i32 = arith.constant 0 : i32
    %c0_i32_0 = arith.constant 0 : i32
    %c0_i32_1 = arith.constant 0 : i32
    return %c0_i32, %c0_i32_0 : i32, i32
  }
}

</mosaic_0001>

<sc_bundles>
// kernel: kernel.5.cloned.1.call-start
scs
__scs_entry_jumppad:
0x0: {  	(pc) =	sbr.rel $0x88, $3  }
0x1: {  	(tag) =	ssettag $0x0;
	lr =	simm.s32 $0x1  }
0x2: {  	[smem:$0x3F8D] =	sst lr;
	_ =	strace $0xD0000000  }
0x3: {  	_ = 	snop  }
0x4: {  	_ = 	snop  }
0x5: {  	_ = 	snop  }
0x6: {  	_ = 	snop  }
0x7: {  	_ = 	snop  }
__scs_overlays_trampoline_lowered:
0x8: {  	[smem:$0x3F9C] =	sst s0  }
0x9: {  	[smem:$0x3F9D] =	sst s1  }
0xa: {  	[smem:$0x3F9E] =	sst s2  }
0xb: {  	[smem:$0x3F9F] =	sst s3  }
0xc: {  	[smem:$0x3FA0] =	sst s4  }
0xd: {  	[smem:$0x3FA1] =	sst s5  }
0xe: {  	[smem:$0x3FA2] =	sst s6  }
0xf: {  	[smem:$0x3FA3] =	sst s7  }
0x10: {  	[smem:$0x3FA4] =	sst s8  }
0x11: {  	[smem:$0x3FA5] =	sst s9;
	s0 =	simm.s32 @!p0 $0x0  }
0x12: {  	s1 =	sld [smem:$0x3F8B];
	s0 =	simm.s32 @p0 $0x1  }
0x13: {  	[smem:$0x3FA6] =	sst s0;
	s0 =	simm.s32 @!p1 $0x0  }
0x14: {  	s2 =	sld [smem:$0x3F8A];
	s0 =	simm.s32 @p1 $0x1  }
0x15: {  	[smem:$0x3FA7] =	sst s0;
	s0 =	simm.s32 @!p2 $0x0  }
0x16: {  	s3 =	sld [smem:$0x3FDB];
	s0 =	simm.s32 @p2 $0x1  }
0x17: {  	s4 =	simm.s32 $0x1BF5;
	[smem:$0x3FA9] =	sst s0  }
0x18: {  	s0 =	sld [smem:$0x3F8C];
	_ =	swait.ge [sflag:s4], $0x0  }
0x19: {  	s7 =	sld [smem:$0x3F8D]  }
0x1a: {  	s8 =	sadd.s32 $0xFFFFE003, lr  }
0x1b: {  	s9 =	sadd.s32 $0xFFFFFEF7, lr;
	s5 =	simm.s32 $0xFFFFFFFF;
	p2 =	slt.u32 s8, $0xFFFFF086  }
0x1c: {  	p1 =	slt.u32 s9, $0xF7A;
	s5 =	simm.s32 @!p2 $0x0  }
0x1d: {  	s5 =	simm.s32 @p1 $0x1;
	p0 =	seq.s32 s7, s2  }
0x1e: {  	s7 =	smul.u32 @!p0 $0xF7A, s2;
	p2 =	seq.s32 @!p0 s5, $0x0  }
0x1f: {  	s9 =	smul.u32 $0xF7A, s1;
	s8 =	simm.s32 @!p0 $0x1BF5;
	p2 =	por !p2, p0  }
0x20: {  	[sflag:s8] =	ssyncset.s32 @!p0 $0xFFFFF086;
	s6 =	sadd.s32 @!p0 s3, s7;
	s7 =	simm.s32 @!p0 $0x108  }
0x21: {  	s3 =	sadd.s32 s3, s9;
	s6 =	sadd.s32 @!p0 $0x88, s6;
	s7 =	simm.s32 @p2 $0x1082  }
0x22: {  	[simem:s7], [sflag:s8] =	dma.local @!p0 [hbm:s6], $0xF7A  }
0x23: {  	s9 =	sor.u32 $0xD0000000, s2;
	s6 =	simm.s32 $0x108;
	_ =	swait.ge @!p0 [sflag:s8], $0x0  }
0x24: {  	s3 =	sadd.s32 $0x88, s3;
	s6 =	simm.s32 @!p1 $0x1082;
	[sflag:s4] =	ssyncset.s32 $0xFFFFF086  }
0x25: {  	[simem:s6], [sflag:s4] =	dma.local [hbm:s3], $0xF7A  }
0x26: {  	[smem:$0x3F8D] =	sst s1;
	(tag) =	ssettag s2;
	_ =	strace s9  }
0x27: {  	s1 =	sld [smem:$0x3F9D]  }
0x28: {  	s2 =	sld [smem:$0x3F9E]  }
0x29: {  	s4 =	sld [smem:$0x3FA0]  }
0x2a: {  	p0 =	seq.s32 s5, $0x0;
	s5 =	sld [smem:$0x3FA1]  }
0x2b: {  	s6 =	sld [smem:$0x3FA2]  }
0x2c: {  	s7 =	sld [smem:$0x3FA3]  }
0x2d: {  	s3 =	simm.s32 $0x108;
	s8 =	sld [smem:$0x3FA4]  }
0x2e: {  	s3 =	simm.s32 @!p0 $0x1082;
	s9 =	sld [smem:$0x3FA5]  }
0x2f: {  	lr =	sadd.s32 s0, s3;
	s0 =	sld [smem:$0x3F9C]  }
0x30: {  	s3 =	sld [smem:$0x3F9F]  }
0x31: {  	[smem:$0x3FA8] =	sst s10  }
0x32: {  	s10 =	sld [smem:$0x3FA6];
	_ =	sdelay $0x3  }
0x33: {  	p0 =	seq.s32 s10, $0x1;
	s10 =	sld [smem:$0x3FA8];
	_ =	sdelay $0x3  }
0x34: {  	[smem:$0x3FA8] =	sst s10  }
0x35: {  	s10 =	sld [smem:$0x3FA7];
	_ =	sdelay $0x3  }
0x36: {  	p1 =	seq.s32 s10, $0x1;
	s10 =	sld [smem:$0x3FA8];
	_ =	sdelay $0x3  }
0x37: {  	[smem:$0x3FA8] =	sst s10  }
0x38: {  	s10 =	sld [smem:$0x3FA9]  }
0x39: {  	_ = 	snop;
	(pc) =	sbr.ind lr, $3  }
0x3a: {  	_ = 	snop  }
0x3b: {  	_ = 	snop  }
0x3c: {  	p2 =	seq.s32 s10, $0x1;
	s10 =	sld [smem:$0x3FA8]  }
0x3d: {  	_ =	shalt  }
0x3e: {  	_ =	shalt  }
0x3f: {  	_ =	shalt  }
0x40: {  	_ =	shalt  }
0x41: {  	_ =	shalt  }
0x42: {  	_ =	shalt  }
0x43: {  	_ =	shalt  }
0x44: {  	_ =	shalt  }
0x45: {  	_ =	shalt  }
0x46: {  	_ =	shalt  }
0x47: {  	_ =	shalt  }
0x48: {  	_ =	shalt  }
0x49: {  	_ =	shalt  }
0x4a: {  	_ =	shalt  }
0x4b: {  	_ =	shalt  }
0x4c: {  	_ =	shalt  }
0x4d: {  	_ =	shalt  }
0x4e: {  	_ =	shalt  }
0x4f: {  	_ =	shalt  }
0x50: {  	_ =	shalt  }
0x51: {  	_ =	shalt  }
0x52: {  	_ =	shalt  }
0x53: {  	_ =	shalt  }
0x54: {  	_ =	shalt  }
0x55: {  	_ =	shalt  }
0x56: {  	_ =	shalt  }
0x57: {  	_ =	shalt  }
0x58: {  	_ =	shalt  }
0x59: {  	_ =	shalt  }
0x5a: {  	_ =	shalt  }
0x5b: {  	_ =	shalt  }
0x5c: {  	_ =	shalt  }
0x5d: {  	_ =	shalt  }
0x5e: {  	_ =	shalt  }
0x5f: {  	_ =	shalt  }
0x60: {  	_ =	shalt  }
0x61: {  	_ =	shalt  }
0x62: {  	_ =	shalt  }
0x63: {  	_ =	shalt  }
0x64: {  	_ =	shalt  }
0x65: {  	_ =	shalt  }
0x66: {  	_ =	shalt  }
0x67: {  	_ =	shalt  }
0x68: {  	_ =	shalt  }
0x69: {  	_ =	shalt  }
0x6a: {  	_ =	shalt  }
0x6b: {  	_ =	shalt  }
0x6c: {  	_ =	shalt  }
0x6d: {  	_ =	shalt  }
0x6e: {  	_ =	shalt  }
0x6f: {  	_ =	shalt  }
0x70: {  	_ =	shalt  }
0x71: {  	_ =	shalt  }
0x72: {  	_ =	shalt  }
0x73: {  	_ =	shalt  }
0x74: {  	_ =	shalt  }
0x75: {  	_ =	shalt  }
0x76: {  	_ =	shalt  }
0x77: {  	_ =	shalt  }
0x78: {  	_ =	shalt  }
0x79: {  	_ =	shalt  }
0x7a: {  	_ =	shalt  }
0x7b: {  	_ =	shalt  }
0x7c: {  	_ =	shalt  }
0x7d: {  	_ =	shalt  }
0x7e: {  	_ =	shalt  }
0x7f: {  	_ =	shalt  }
0x80: {  	_ =	shalt  }
0x81: {  	_ =	shalt  }
0x82: {  	_ =	shalt  }
0x83: {  	_ =	shalt  }
0x84: {  	_ =	shalt  }
0x85: {  	_ =	shalt  }
0x86: {  	_ =	shalt  }
0x87: {  	_ =	shalt  }
.Lfunc_end0:
.L_simem_size_0:
called_computation.1_lowered:
.L_overlay_start_0:
0x88: {  	s2 =	sld [smem:$0x3FD9]  }
0x89: {  	s3 =	sld [smem:$0x3FFE];
	_ =	sdelay $0x1  }
0x8a: {  	s1 =	srdreg.scid  }
0x8b: {  	s0 =	sand.u32 $0x1, s1  }
0x8c: {  	s16 =	sshll.u32 s0, $0xA;
	s2 =	sadd.s32 s3, s2  }
0x8d: {  	s2 =	sadd.s32 s2, s16  }
0x8e: {  	[smem:$0x3FB4] =	sst s2  }
0x8f: {  	_ = 	snop  }
0x90: {  	(tm) =	ssettm $0x1  }
0x91: {  	s17 =	sld [smem:$0x3FFB];
	_ =	sdelay $0x3  }
0x92: {  	_ =	strace s17  }
0x93: {  	s2 =	sld [smem:$0x3FFC];
	_ =	sdelay $0x3  }
0x94: {  	_ =	strace s2  }
0x95: {  	s2 =	sld [smem:$0x3FFD];
	_ =	sdelay $0x3  }
0x96: {  	_ =	strace s2  }
0x97: {  	_ =	strace $0x8FFFFFFF  }
0x98: {  	s18 =	sld [smem:$0x3FDB];
	_ =	sdelay $0x1  }
0x99: {  	s19 =	simm.s32 $_scs_section_size  }
0x9a: {  	s4 =	simm.s32 $_size__tile_overlayer_lowered;
	s5 =	simm.s32 $_tile_overlayer_lowered  }
0x9b: {  	s22 =	simm.s32 $0x1BFF;
	s21 =	sshll.u32 s5, $0x1;
	s2 =	sadd.s32 s19, s18  }
0x9c: {  	s6 =	simm.s32 $0x0;
	s20 =	sshll.u32 s4, $0x1;
	s4 =	sadd.s32 s21, s2  }
0x9d: {  	[timem:s6], [sflag:s22] =	dma.local [hbm:s4], s20  }
0x9e: {  	_ =	swait.ge [sflag:s22], s20  }
0x9f: {  	s3 =	ssub.s32 $0x0, s20;
	[sflag:s22] =	ssyncset.done $0x0  }
0xa0: {  	[sflag:s22] =	ssyncadd.s32 s3;
	_ =	sdelay $0x1  }
0xa1: {  	s23 =	simm.s32 $0x1B8B  }
0xa2: {  	_ =	swait.ge [sflag:s23], $0x1  }
0xa3: {  	[sflag:s23] =	ssyncset.done $0x0  }
0xa4: {  	s25 =	simm.s32 $0x1B8E;
	s24 =	sld [smem:$0x3FFE];
	[sflag:s23] =	ssyncadd.s32 $0xFFFFFFFF  }
0xa5: {  	s26 =	simm.s32 $execute0_lowered;
	[smem:$0x3FD2] =	sst s25  }
0xa6: {  	s4 =	sshll.u32 s26, $0x1;
	_ =	strace $0x80000046;
	[dreg:$0x1] =	wrdreg $0xFFFFFFFF  }
0xa7: {  	s28 =	simm.s32 $_size_execute0_lowered;
	s2 =	sadd.s32 s2, s4;
	[dreg:$0x0] =	wrdreg $0x0  }
0xa8: {  	s4 =	sshll.u32 s28, $0x1;
	[dreg:$0x2] =	wrdreg s2  }
0xa9: {  	[dreg:$0x3] =	wrdreg s4  }
0xaa: {  	[dreg:$0x4] =	wrdreg $0xC0  }
0xab: {  	_ =	task [dreg:s6], $0x5FFFF  }
0xac: {  	[dreg:$0x1] =	wrdreg $0xFFFFFFFF  }
0xad: {  	[dreg:$0x0] =	wrdreg $0x60  }
0xae: {  	[dreg:$0x2] =	wrdreg s24  }
0xaf: {  	[dreg:$0x3] =	wrdreg $0x9  }
0xb0: {  	_ =	task.clear_ibuf [dreg:s6], $0x4FFFF;
	_ =	strace $0x90000046  }
0xb1: {  	s29 =	simm.s32 $0x9;
	_ =	strace $0x80000048  }
0xb2: {  	_ =	swait.ge [sflag:s29], $0x1  }
0xb3: {  	[sflag:s29] =	ssyncadd.s32 $0xFFFFFFFF  }
0xb4: {  	_ =	strace $0x90000048  }
0xb5: {  	_ =	sfence  }
0xb6: {  	s30 =	sld [smem:$0x0];
	_ =	sdelay $0x2  }
0xb7: {  	s31 =	sshll.u32 s1, $0xD;
	s1 =	sshrl.u32 s1, $0x2  }
0xb8: {  	s3 =	sand.u32 $0x4000, s31;
	s1 =	sadd.s32 s1, s30  }
0xb9: {  	s0 =	sor.u32 s3, s0;
	s1 =	sshll.u32 s1, $0x11  }
0xba: {  	s0 =	sor.u32 s1, s0  }
0xbb: {  	s0 =	sadd.s32 $0x8F2B, s0  }
0xbc: {  	[sflag:s0] =	ssyncadd.remote.s32 $0x1  }
0xbd: {  	_ =	sfence.sel $0xFFFF  }
0xbe: {  	[dreg:$0x0] =	wrdreg $0xFFFFFFFF;
	(pc) =	sbr.abs _section_cstart, $3  }
0xbf: {  	[dreg:$0x1] =	wrdreg $0xFFFFFFFF  }
0xc0: {  	_ =	task.clear_ibuf [dreg:s6], $0x2FFFF;
	_ =	strace $0x9FFFFFFF  }
0xc1: {  	(tm) =	ssettm $0x7FFFFFFF  }
tec
execute0_lowered:
.L_overlay_start_1:
0x0: {  	(tag) =	ssettag $0x1  }
0x1: {  	s1 =	srdreg.scid  }
0x2: {  	s0 =	stileid.u32;
	s20 =	sand.u32 $0x1, s1  }
0x3: {  	s11 =	rddreg [dreg:$0x0];
	s3 =	sshll.u32 s0, $0x8;
	s4 =	sshll.u32 s20, $0x7  }
0x4: {  	s2 =	simm.s32 $0x0;
	s1 =	rddreg [dreg:$0x1];
	s3 =	sor.u32 s4, s3  }
0x5: {  	[smem:$0x7FF] =	sst s2;
	s5 =	sadd.s32 s3, s11  }
0x6: {  	_ =	strace $0x80000047;
	s3 =	simm.s32 $0x2;
	s4 =	sadd.s32 $0x5000, s5  }
0x7: {  	[tilespmem:s2], [sflag:$0x2] =	stream.linear.gather [hbm4b:s4+s2], $0x280, $0x38;
	[tilespmem:$0xC00] =	vst v63  }
0x8: {  	_ =	swait.ge [sflag:s3], $0x280  }
0x9: {  	[sflag:s3] =	ssyncset.done $0x0  }
0xa: {  	s6 =	simm.s32 $0x400;
	s5 =	sadd.s32 $0x4000, s5;
	[sflag:s3] =	ssyncadd.s32 $0xFFFFFD80  }
0xb: {  	[tilespmem:s6], [sflag:$0x2] =	stream.linear.gather [hbm4b:s5+s2], $0x280, $0x38;
	[tilespmem:$0xC00] =	vst v63  }
0xc: {  	_ =	swait.ge [sflag:s3], $0x280  }
0xd: {  	s8 =	simm.s32 $0x80;
	s9 =	simm.s32 $0x800;
	[sflag:s3] =	ssyncset.done $0x0  }
0xe: {  	s10 =	simm.s32 $0x1;
	s7 =	sadd.s32 $0xCD600, s11;
	[sflag:s3] =	ssyncadd.s32 $0xFFFFFD80  }
0xf: {  	[tilespmem:s9], [sflag:$0x1] =	stream.indirect.gather [hbm4b:s7+s8], $0x1, s2, s8, $0xb8;
	[tilespmem:$0xC00] =	vst v63  }
0x10: {  	_ =	swait.ge [sflag:s10], $0x80  }
0x11: {  	[sflag:s10] =	ssyncset.done $0x0  }
0x12: {  	s11 =	sadd.s32 $0xCE600, s11;
	[sflag:s10] =	ssyncadd.s32 $0xFFFFFF80  }
0x13: {  	[hbm4b:s11+s8] =	stream.indirect.scatter [tilespmem:s9], [sflag:$0x2], $0x1, s6, s8, $0xb8;
	[tilespmem:$0xC00] =	vst v63  }
0x14: {  	_ =	swait.ge [sflag:s3], $0x80  }
0x15: {  	[sflag:s3] =	ssyncset.done $0x0  }
0x16: {  	s12 =	simm.s32 $0x880;
	[sflag:s3] =	ssyncadd.s32 $0xFFFFFF80  }
0x17: {  	[tilespmem:s12], [sflag:$0x1] =	stream.indirect.gather [hbm4b:s7+s8], $0x1, s8, s8, $0xb8;
	[tilespmem:$0xC00] =	vst v63  }
0x18: {  	_ =	swait.ge [sflag:s10], $0x80  }
0x19: {  	[sflag:s10] =	ssyncset.done $0x0  }
0x1a: {  	s13 =	simm.s32 $0x480;
	[sflag:s10] =	ssyncadd.s32 $0xFFFFFF80  }
0x1b: {  	[hbm4b:s11+s8] =	stream.indirect.scatter [tilespmem:s12], [sflag:$0x2], $0x1, s13, s8, $0xb8;
	[tilespmem:$0xC00] =	vst v63  }
0x1c: {  	_ =	swait.ge [sflag:s3], $0x80  }
0x1d: {  	[sflag:s3] =	ssyncset.done $0x0  }
0x1e: {  	s14 =	simm.s32 $0x100;
	s15 =	simm.s32 $0x900;
	[sflag:s3] =	ssyncadd.s32 $0xFFFFFF80  }
0x1f: {  	[tilespmem:s15], [sflag:$0x1] =	stream.indirect.gather [hbm4b:s7+s8], $0x1, s14, s8, $0xb8;
	[tilespmem:$0xC00] =	vst v63  }
0x20: {  	_ =	swait.ge [sflag:s10], $0x80  }
0x21: {  	[sflag:s10] =	ssyncset.done $0x0  }
0x22: {  	s16 =	simm.s32 $0x500;
	[sflag:s10] =	ssyncadd.s32 $0xFFFFFF80  }
0x23: {  	[hbm4b:s11+s8] =	stream.indirect.scatter [tilespmem:s15], [sflag:$0x2], $0x1, s16, s8, $0xb8;
	[tilespmem:$0xC00] =	vst v63  }
0x24: {  	_ =	swait.ge [sflag:s3], $0x80  }
0x25: {  	[sflag:s3] =	ssyncset.done $0x0  }
0x26: {  	s17 =	simm.s32 $0x180;
	s18 =	simm.s32 $0x980;
	[sflag:s3] =	ssyncadd.s32 $0xFFFFFF80  }
0x27: {  	[tilespmem:s18], [sflag:$0x1] =	stream.indirect.gather [hbm4b:s7+s8], $0x1, s17, s8, $0xb8;
	[tilespmem:$0xC00] =	vst v63  }
0x28: {  	_ =	swait.ge [sflag:s10], $0x80  }
0x29: {  	[sflag:s10] =	ssyncset.done $0x0  }
0x2a: {  	s19 =	simm.s32 $0x580;
	s22 =	ssub.s32 $0x2, s20;
	[sflag:s10] =	ssyncadd.s32 $0xFFFFFF80  }
0x2b: {  	[hbm4b:s11+s8] =	stream.indirect.scatter [tilespmem:s18], [sflag:$0x2], $0x1, s19, s8, $0xb8;
	[tilespmem:$0xC00] =	vst v63  }
0x2c: {  	s23 =	sshrl.u32 s22, $0x1;
	_ =	swait.ge [sflag:s3], $0x80  }
0x2d: {  	s21 =	simm.s32 $0xA00;
	s22 =	ssub.s32 s22, s23;
	[sflag:s3] =	ssyncset.done $0x0  }
0x2e: {  	s20 =	simm.s32 $0x200;
	s23 =	smax.u32 s22, $0x1;
	[sflag:s3] =	ssyncadd.s32 $0xFFFFFF80  }
0x2f: {  	[tilespmem:s21], [sflag:$0x1] =	stream.indirect.gather [hbm4b:s7+s8], $0x1, s20, s8, $0xb8;
	[tilespmem:$0xC00] =	vst v63  }
0x30: {  	p0 =	sne.s32 s23, $0x1;
	_ =	swait.ge [sflag:s10], $0x80  }
.Ltmp0:
0x31: {  	[sflag:s10] =	ssyncset.done $0x0;
	(pc) =	sbr.rel @!p0 .LBB2_2-.Ltmp0, $4  }
0x32: {  	s22 =	simm.s32 $0x600;
	[sflag:s10] =	ssyncadd.s32 $0xFFFFFF80  }
0x33: {  	[hbm4b:s11+s8] =	stream.indirect.scatter [tilespmem:s21], [sflag:$0x2], $0x1, s22, s8, $0xb8;
	[tilespmem:$0xC00] =	vst v63  }
0x34: {  	_ =	swait.ge [sflag:s3], $0x80  }
0x35: {  	s23 =	sadd.s32 $0xFFFFFFFF, s23;
	[sflag:s3] =	ssyncset.done $0x0  }
.LBB2_1:
0x36: {  	p0 =	sne.s32 s23, $0x1;
	s23 =	sadd.s32 $0xFFFFFFFF, s23;
	[sflag:s3] =	ssyncadd.s32 $0xFFFFFF80  }
0x37: {  	[tilespmem:s2], [sflag:$0x2] =	stream.linear.gather [hbm4b:s4+s2], $0x280, $0x38;
	[tilespmem:$0xC00] =	vst v63  }
0x38: {  	_ =	swait.ge [sflag:s3], $0x280  }
0x39: {  	[sflag:s3] =	ssyncset.done $0x0  }
0x3a: {  	[sflag:s3] =	ssyncadd.s32 $0xFFFFFD80  }
0x3b: {  	[tilespmem:s6], [sflag:$0x2] =	stream.linear.gather [hbm4b:s5+s2], $0x280, $0x38;
	[tilespmem:$0xC00] =	vst v63  }
0x3c: {  	_ =	swait.ge [sflag:s3], $0x280  }
0x3d: {  	[sflag:s3] =	ssyncset.done $0x0  }
0x3e: {  	[sflag:s3] =	ssyncadd.s32 $0xFFFFFD80  }
0x3f: {  	[tilespmem:s9], [sflag:$0x1] =	stream.indirect.gather [hbm4b:s7+s8], $0x1, s2, s8, $0xb8;
	[tilespmem:$0xC00] =	vst v63  }
0x40: {  	_ =	swait.ge [sflag:s10], $0x80  }
0x41: {  	[sflag:s10] =	ssyncset.done $0x0  }
0x42: {  	[sflag:s10] =	ssyncadd.s32 $0xFFFFFF80  }
0x43: {  	[hbm4b:s11+s8] =	stream.indirect.scatter [tilespmem:s9], [sflag:$0x2], $0x1, s6, s8, $0xb8;
	[tilespmem:$0xC00] =	vst v63  }
0x44: {  	_ =	swait.ge [sflag:s3], $0x80  }
0x45: {  	[sflag:s3] =	ssyncset.done $0x0  }
0x46: {  	[sflag:s3] =	ssyncadd.s32 $0xFFFFFF80  }
0x47: {  	[tilespmem:s12], [sflag:$0x1] =	stream.indirect.gather [hbm4b:s7+s8], $0x1, s8, s8, $0xb8;
	[tilespmem:$0xC00] =	vst v63  }
0x48: {  	_ =	swait.ge [sflag:s10], $0x80  }
0x49: {  	[sflag:s10] =	ssyncset.done $0x0  }
0x4a: {  	[sflag:s10] =	ssyncadd.s32 $0xFFFFFF80  }
0x4b: {  	[hbm4b:s11+s8] =	stream.indirect.scatter [tilespmem:s12], [sflag:$0x2], $0x1, s13, s8, $0xb8;
	[tilespmem:$0xC00] =	vst v63  }
0x4c: {  	_ =	swait.ge [sflag:s3], $0x80  }
0x4d: {  	[sflag:s3] =	ssyncset.done $0x0  }
0x4e: {  	[sflag:s3] =	ssyncadd.s32 $0xFFFFFF80  }
0x4f: {  	[tilespmem:s15], [sflag:$0x1] =	stream.indirect.gather [hbm4b:s7+s8], $0x1, s14, s8, $0xb8;
	[tilespmem:$0xC00] =	vst v63  }
0x50: {  	_ =	swait.ge [sflag:s10], $0x80  }
0x51: {  	[sflag:s10] =	ssyncset.done $0x0  }
0x52: {  	[sflag:s10] =	ssyncadd.s32 $0xFFFFFF80  }
0x53: {  	[hbm4b:s11+s8] =	stream.indirect.scatter [tilespmem:s15], [sflag:$0x2], $0x1, s16, s8, $0xb8;
	[tilespmem:$0xC00] =	vst v63  }
0x54: {  	_ =	swait.ge [sflag:s3], $0x80  }
0x55: {  	[sflag:s3] =	ssyncset.done $0x0  }
0x56: {  	[sflag:s3] =	ssyncadd.s32 $0xFFFFFF80  }
0x57: {  	[tilespmem:s18], [sflag:$0x1] =	stream.indirect.gather [hbm4b:s7+s8], $0x1, s17, s8, $0xb8;
	[tilespmem:$0xC00] =	vst v63  }
0x58: {  	_ =	swait.ge [sflag:s10], $0x80  }
0x59: {  	[sflag:s10] =	ssyncset.done $0x0  }
0x5a: {  	[sflag:s10] =	ssyncadd.s32 $0xFFFFFF80  }
0x5b: {  	[hbm4b:s11+s8] =	stream.indirect.scatter [tilespmem:s18], [sflag:$0x2], $0x1, s19, s8, $0xb8;
	[tilespmem:$0xC00] =	vst v63  }
0x5c: {  	_ =	swait.ge [sflag:s3], $0x80  }
0x5d: {  	[sflag:s3] =	ssyncset.done $0x0  }
0x5e: {  	[sflag:s3] =	ssyncadd.s32 $0xFFFFFF80  }
0x5f: {  	[tilespmem:s21], [sflag:$0x1] =	stream.indirect.gather [hbm4b:s7+s8], $0x1, s20, s8, $0xb8;
	[tilespmem:$0xC00] =	vst v63  }
0x60: {  	_ =	swait.ge [sflag:s10], $0x80  }
.Ltmp1:
0x61: {  	[sflag:s10] =	ssyncset.done $0x0;
	(pc) =	sbr.rel @p0 .LBB2_1-.Ltmp1, $4  }
0x62: {  	[sflag:s10] =	ssyncadd.s32 $0xFFFFFF80  }
0x63: {  	[hbm4b:s11+s8] =	stream.indirect.scatter [tilespmem:s21], [sflag:$0x2], $0x1, s22, s8, $0xb8;
	[tilespmem:$0xC00] =	vst v63  }
0x64: {  	_ =	swait.ge [sflag:s3], $0x80  }
0x65: {  	[sflag:s3] =	ssyncset.done $0x0  }
.LBB2_2:
0x66: {  	[sflag:s3] =	ssyncadd.s32 $0xFFFFFF80  }
0x67: {  	_ =	sfence.sel $0x180000  }
0x68: {  	[bflag:$0x0] =	sbarrier.arrive $0xFFFF  }
0x69: {  	p0 =	sne.s32 s0, $0x0;
	_ =	strace $0x90000047  }
0x6a: {  	s0 =	sadd.s32 @!p0 $0x100000, s1;
	[bflag:$0x2] =	sbarrier.arrive $0xFFFF  }
0x6b: {  	[sflag:s0] =	ssyncadd.tile.s32 @!p0 $0x1;
	_ =	shalt  }
.Lfunc_end2:
_tile_overlayer_lowered:
.L_overlay_start_2:
0x6c: {  	(tag) =	ssettag $0x2  }
0x6d: {  	s0 =	rddreg [dreg:$0x0];
	s2 =	stileid.u32  }
0x6e: {  	s1 =	rddreg [dreg:$0x1];
	p0 =	sne.s32 s2, $0x0  }
0x6f: {  	s3 =	rddreg [dreg:$0x2];
	[bflag:$0x3] =	sbarrier.arrive $0xFFFF;
	s2 =	simm.s32 @!p0 $0x1C02  }
0x70: {  	[timem:s3], [sflag:s2] =	dma.local @!p0 [hbm:s0], s1  }
0x71: {  	s0 =	simm.s32 @!p0 $0x2  }
0x72: {  	_ =	swait.ge @!p0 [sflag:s0], s1  }
0x73: {  	s1 =	ssub.s32 @!p0 $0x0, s1;
	[sflag:s0] =	ssyncset.done @!p0 $0x0  }
0x74: {  	[sflag:s0] =	ssyncadd.s32 @!p0 s1  }
0x75: {  	[bflag:$0x3] =	sbarrier.arrive $0xFFFF  }
0x76: {  	_ =	shalt  }

// kernel: sparse-core-data-format-call.cloned.1.call-start
scs
called_computation_lowered:
.L_overlay_start_0:
0x0: {  	s2 =	sld [smem:$0x3FD9]  }
0x1: {  	s3 =	sld [smem:$0x3FFE];
	_ =	sdelay $0x1  }
0x2: {  	s1 =	srdreg.scid  }
0x3: {  	s0 =	sand.u32 $0x1, s1  }
0x4: {  	s18 =	sshll.u32 s0, $0xA;
	s2 =	sadd.s32 s3, s2  }
0x5: {  	s2 =	sadd.s32 s2, s18  }
0x6: {  	[smem:$0x3FB4] =	sst s2  }
0x7: {  	_ = 	snop  }
0x8: {  	s2 =	sld [smem:$0x3FD0];
	(tm) =	ssettm $0x1  }
0x9: {  	s19 =	sld [smem:$0x3FFB];
	_ =	sdelay $0x3  }
0xa: {  	_ =	strace s19  }
0xb: {  	s3 =	sld [smem:$0x3FFC];
	_ =	sdelay $0x3  }
0xc: {  	_ =	strace s3  }
0xd: {  	s3 =	sld [smem:$0x3FFD];
	_ =	sdelay $0x3  }
0xe: {  	_ =	strace s3  }
0xf: {  	_ =	strace $0x8FFFFFFF  }
0x10: {  	s20 =	sld [smem:$0x3FDB];
	_ =	sdelay $0x1  }
0x11: {  	s4 =	simm.s32 $_scs_section_size  }
0x12: {  	s5 =	simm.s32 $_size__tile_overlayer_lowered;
	s6 =	simm.s32 $_tile_overlayer_lowered  }
0x13: {  	s23 =	simm.s32 $0x1BFF;
	s22 =	sshll.u32 s6, $0x1;
	s3 =	sadd.s32 s4, s20  }
0x14: {  	s7 =	simm.s32 $0x0;
	s21 =	sshll.u32 s5, $0x1;
	s5 =	sadd.s32 s22, s3  }
0x15: {  	[timem:s7], [sflag:s23] =	dma.local [hbm:s5], s21  }
0x16: {  	_ =	swait.ge [sflag:s23], s21  }
0x17: {  	s4 =	ssub.s32 $0x0, s21;
	[sflag:s23] =	ssyncset.done $0x0  }
0x18: {  	[sflag:s23] =	ssyncadd.s32 s4;
	_ =	sdelay $0x1  }
0x19: {  	s24 =	simm.s32 $0x1B8B  }
0x1a: {  	_ =	swait.ge [sflag:s24], $0x1  }
0x1b: {  	[sflag:s24] =	ssyncset.done $0x0  }
0x1c: {  	s26 =	simm.s32 $0x1B8E;
	s25 =	sld [smem:$0x3FFE];
	[sflag:s24] =	ssyncadd.s32 $0xFFFFFFFF  }
0x1d: {  	s27 =	simm.s32 $execute0_lowered;
	[smem:$0x3FD2] =	sst s26  }
0x1e: {  	s5 =	sshll.u32 s27, $0x1;
	_ =	strace $0x80000049;
	[dreg:$0x1] =	wrdreg $0xFFFFFFFF  }
0x1f: {  	s28 =	simm.s32 $_size_execute0_lowered;
	s3 =	sadd.s32 s3, s5;
	[dreg:$0x0] =	wrdreg $0x0  }
0x20: {  	s5 =	sshll.u32 s28, $0x1;
	[dreg:$0x2] =	wrdreg s3  }
0x21: {  	[dreg:$0x3] =	wrdreg s5  }
0x22: {  	[dreg:$0x4] =	wrdreg $0xC0  }
0x23: {  	_ =	task [dreg:s7], $0x5FFFF  }
0x24: {  	[dreg:$0x1] =	wrdreg $0xFFFFFFFF  }
0x25: {  	[dreg:$0x0] =	wrdreg $0x60  }
0x26: {  	[dreg:$0x2] =	wrdreg s25  }
0x27: {  	[dreg:$0x3] =	wrdreg s2  }
0x28: {  	[dreg:$0x4] =	wrdreg $0x9  }
0x29: {  	_ =	task.clear_ibuf [dreg:s7], $0x5FFFF;
	_ =	strace $0x90000049  }
0x2a: {  	s29 =	simm.s32 $0x9;
	_ =	strace $0x8000004B  }
0x2b: {  	_ =	swait.ge [sflag:s29], $0x1  }
0x2c: {  	[sflag:s29] =	ssyncadd.s32 $0xFFFFFFFF  }
0x2d: {  	_ =	strace $0x9000004B  }
0x2e: {  	_ =	sfence  }
0x2f: {  	s30 =	sld [smem:$0x0];
	_ =	sdelay $0x2  }
0x30: {  	s31 =	sshll.u32 s1, $0xD;
	s1 =	sshrl.u32 s1, $0x2  }
0x31: {  	s3 =	sand.u32 $0x4000, s31;
	s1 =	sadd.s32 s1, s30  }
0x32: {  	s0 =	sor.u32 s3, s0;
	s1 =	sshll.u32 s1, $0x11  }
0x33: {  	s0 =	sor.u32 s1, s0  }
0x34: {  	s0 =	sadd.s32 $0x8F2B, s0  }
0x35: {  	[sflag:s0] =	ssyncadd.remote.s32 $0x1  }
0x36: {  	_ =	sfence.sel $0xFFFF  }
0x37: {  	[dreg:$0x0] =	wrdreg $0xFFFFFFFF;
	(pc) =	sbr.abs _section_cstart, $3  }
0x38: {  	[dreg:$0x1] =	wrdreg $0xFFFFFFFF  }
0x39: {  	_ =	task.clear_ibuf [dreg:s7], $0x2FFFF;
	_ =	strace $0x9FFFFFFF  }
0x3a: {  	(tm) =	ssettm $0x7FFFFFFF  }
0x3b: {  	_ =	shalt  }
tec
execute0_lowered:
.L_overlay_start_1:
0x0: {  	(tag) =	ssettag $0x1  }
0x1: {  	s0 =	stileid.u32  }
0x2: {  	s2 =	srdreg.scid;
	s7 =	rddreg [dreg:$0x0]  }
0x3: {  	s6 =	simm.s32 $0x1;
	s31 =	simm.s32 $0x2;
	s16 =	simm.s32 $0x0  }
0x4: {  	s9 =	simm.s32 $0x2000;
	s15 =	simm.s32 $0x0;
	s10 =	simm.s32 $0x0  }
0x5: {  	s11 =	simm.s32 $0x0;
	s14 =	simm.s32 $0x0;
	s1 =	sshll.u32 s0, $0x7  }
0x6: {  	s3 =	sshll.u32 s0, $0x4;
	s2 =	sshll.u32 s2, $0x8;
	s1 =	sand.u32 $0x380, s1  }
0x7: {  	s7 =	sadd.s32 $0xD06600, s7;
	s2 =	sor.u32 s3, s2;
	s5 =	ssub.s32 $0x400, s1  }
0x8: {  	s3 =	rddreg [dreg:$0x1];
	s4 =	sand.u32 $0x180, s2;
	s29 =	sand.u32 $0x380, s5  }
0x9: {  	s30 =	ssub.s32 $0x18680, s4;
	s5 =	sshrl.u32 s5, $0xA;
	p0 =	sne.s32 s29, $0x0  }
.Ltmp0:
0xa: {  	s8 =	sshrl.u32 s30, $0x9;
	s6 =	simm.s32 @!p0 $0x0;
	(pc) =	sbr.rel .LBB1_1-.Ltmp0, $4  }
0xb: {  	s2 =	rddreg [dreg:$0x2];
	s8 =	sadd.s32 $0x1, s8;
	s6 =	sadd.s32 s6, s5  }
0xc: {  	_ =	strace $0x8000004A;
	s5 =	simm.s32 $0x1;
	s6 =	smul.u32 s6, s8  }
0xd: {  	s13 =	smov.u32 s1;
	s12 =	smov.u32 s4;
	[sflag:s5] =	ssyncpa.u1 $0x0  }
0xe: {  	p0 =	por $0x0, $0x0;
	[sflag:s31] =	ssyncpa.u1 $0x0;
	s8 =	sadd.s32 $0x1, s6  }
.LBB1_4:
0xf: {  	s21 =	sshra.s32 s21, $0x2;
	s27 =	sshll.u32 s10, $0xA;
	s22 =	sshll.u32 s11, $0x3  }
0x10: {  	s23 =	sshll.u32 s10, $0x7;
	s24 =	sand.u32 $0x78, s11;
	p1 =	sgt.s32 s10, $0x18620  }
0x11: {  	s25 =	sshra.s32 s10, $0x1F;
	s26 =	sshra.s32 s11, $0x1F;
	s20 =	sadd.s32 s21, s20  }
0x12: {  	v5 =	vld [tilespmem:s18+$0xFFFFFFD0];
	[tilespmem:s19+$0x2040 ss:$0x81] =	vst.msk $0xffff, v4;
	s21 =	sand.u32 $0xFFFFE000, s27;
	s22 =	sand.u32 $0xFFFFFC00, s22;
	s28 =	sand.u32 $0x380, s23  }
0x13: {  	v58 =	vld [tilespmem:s18+$0xFFFFFFE0];
	[tilespmem:s19+$0x2850 ss:$0x81] =	vst.msk $0xffff, v3;
	s23 =	smov.u32 s10;
	s30 =	sand.u32 s25, s10;
	s25 =	smov.u32 s11  }
0x14: {  	v59 =	vld [tilespmem:s18+$0xFFFFFFF0];
	[tilespmem:s19+$0x3060 ss:$0x81] =	vst.msk $0xffff, v2;
	s31 =	sand.u32 s26, s11;
	s21 =	sadd.s32 s22, s21;
	s22 =	sor.u32 s24, s28  }
0x15: {  	v60 =	vld [tilespmem:s18+$0x0];
	[tilespmem:s19+$0x0 ss:$0x81] =	vst.msk $0xffff, v1;
	s23 =	simm.s32 @!p1 $0x18620;
	p1 =	sgt.s32 s11, $0x380;
	s21 =	sshrl.u32 s21, $0xA  }
0x16: {  	v61 =	vld [tilespmem:s18+$0x10];
	[tilespmem:s20+$0x3870 ss:$0x81] =	vst.msk $0xffff, v0;
	s19 =	ssub.s32 s23, s30;
	s25 =	simm.s32 @!p1 $0x380;
	s29 =	smulhi.u32 $0x53E2D7, s21  }
0x17: {  	v62 =	vld [tilespmem:s18+$0x20];
	s23 =	ssub.s32 s25, s31;
	s26 =	sadd.s32 $0xFFFE79E0, s19;
	s19 =	ssub.s32 $0x186A0, s19;
	[tilespmem:s20+$0x810 ss:$0x81] =	vst.msk $0xffff, v5  }
0x18: {  	v63 =	vld [tilespmem:s18+$0xFFFFFFC0];
	[tilespmem:s20+$0x1020 ss:$0x81] =	vst.msk $0xffff, v58;
	p1 =	sgt.s32 s26, $0x7F;
	s28 =	sadd.s32 $0xFFFFFC80, s23;
	s24 =	sshrl.u32 s29, $0x7  }
0x19: {  	[tilespmem:s20+$0x1830 ss:$0x81] =	vst.msk $0xffff, v59;
	s23 =	ssub.s32 $0x400, s23;
	p2 =	sgt.s32 s28, $0x7F;
	s27 =	smul.u32 $0x186A0, s24  }
0x1a: {  	s30 =	sand.u32 $0x7, s11;
	[tilespmem:s20+$0x2040 ss:$0x81] =	vst.msk $0xffff, v60;
	s19 =	simm.s32 @p1 $0x0;
	s23 =	simm.s32 @p2 $0x0  }
0x1b: {  	[tilespmem:s20+$0x2850 ss:$0x81] =	vst.msk $0xffff, v61;
	s29 =	sshrl.u32 s22, $0x3;
	s19 =	smul.u32 s23, s19;
	s18 =	ssub.s32 s21, s27  }
0x1c: {  	[tilespmem:s20+$0x3060 ss:$0x81] =	vst.msk $0xffff, v62;
	s22 =	sshll.u32 s30, $0x12;
	s21 =	sadd.s32 s3, s29;
	s18 =	sshll.u32 s18, $0x7  }
0x1d: {  	[tilespmem:s20+$0x0 ss:$0x81] =	vst.msk $0xffff, v63;
	s31 =	sor.u32 $0x400, s22;
	s19 =	sand.u32 $0x3FFFFFFF, s19;
	s18 =	sadd.s32 s18, s21  }
0x1e: {  	[hbm4b:s18+s31] =	stream.strided.scatter [tilespmem:s17], [sflag:$0x2], s19, s9, s31, $0x20;
	[tilespmem:$0x10100] =	vst v63  }
.LBB1_5:
0x1f: {  	p1 =	slt.u32 s14, $0x2  }
0x20: {  	s18 =	smov.u32 s16;
	p2 =	sgt.s32 @!p1 s16, $0x18620;
	s17 =	sshra.s32 @!p1 s16, $0x1F  }
0x21: {  	p3 =	sgt.s32 @!p1 s15, $0x380;
	s19 =	sshra.s32 @!p1 s15, $0x1F;
	p2 =	por !p2, p1  }
0x22: {  	s16 =	sand.u32 @!p1 s17, s16;
	p3 =	por !p3, p1;
	s17 =	smov.u32 s15  }
0x23: {  	s15 =	sand.u32 @!p1 s19, s15;
	s18 =	simm.s32 @p2 $0x18620;
	s17 =	simm.s32 @p3 $0x380  }
0x24: {  	s16 =	ssub.s32 @!p1 s18, s16;
	s15 =	ssub.s32 @!p1 s17, s15  }
0x25: {  	s19 =	smov.u32 s13;
	s17 =	sadd.s32 @!p1 $0xFFFE79E0, s16;
	s18 =	sadd.s32 @!p1 $0xFFFFFC80, s15  }
0x26: {  	s16 =	ssub.s32 @!p1 $0x186A0, s16;
	p2 =	sgt.s32 @!p1 s17, $0x7F;
	p3 =	sgt.s32 @!p1 s18, $0x7F  }
0x27: {  	s15 =	ssub.s32 @!p1 $0x400, s15;
	p2 =	por !p2, p1;
	p3 =	por !p3, p1  }
0x28: {  	s17 =	sadd.s32 $0x200, s12;
	s16 =	simm.s32 @!p2 $0x0;
	s15 =	simm.s32 @!p3 $0x0  }
0x29: {  	p2 =	sgt.s32 s17, $0x1869F;
	s15 =	smul.u32 @!p1 s15, s16;
	s16 =	sadd.s32 $0x400, s13  }
0x2a: {  	s19 =	smov.u32 @p2 s16  }
0x2b: {  	s17 =	smov.u32 @p2 s4;
	p2 =	sgt.s32 s19, $0x3FF  }
0x2c: {  	s19 =	smov.u32 @p2 s1;
	p2 =	sne.s32 s14, s8  }
.Ltmp1:
0x2d: {  	p0 =	por !p0, !p0;
	s18 =	simm.s32 @!p1 $0x2;
	(pc) =	sbr.rel @!p2 .LBB1_6-.Ltmp1, $4  }
0x2e: {  	s16 =	smov.u32 s10;
	s10 =	smov.u32 s12;
	s15 =	sand.u32 @!p1 $0x3FFFFFFF, s15  }
0x2f: {  	s12 =	smov.u32 s17;
	_ =	swait.ge @!p1 [sflag:s18], s15;
	s20 =	ssub.s32 @!p1 $0x0, s15  }
0x30: {  	s15 =	smov.u32 s11;
	s14 =	sadd.s32 $0x1, s14;
	[sflag:s18] =	ssyncset.done @!p1 $0x0  }
0x31: {  	s11 =	smov.u32 s13;
	s13 =	smov.u32 s19;
	[sflag:s18] =	ssyncadd.s32 @!p1 s20  }
.LBB1_1:
0x32: {  	p1 =	sge.u32 s14, s6  }
0x33: {  	s17 =	sshrl.u32 @!p1 s13, $0x3  }
0x34: {  	s18 =	sshll.u32 @!p1 s12, $0x3;
	s17 =	smul.u32 @!p1 $0xC3800, s17  }
0x35: {  	s19 =	sshll.u32 @!p1 s13, $0x7;
	s18 =	sand.u32 @!p1 $0xFFFFFC00, s18  }
0x36: {  	s17 =	sadd.s32 @!p1 s17, s18;
	s18 =	sand.u32 @!p1 $0x380, s19  }
0x37: {  	s19 =	sand.u32 @!p1 $0x7F, s12;
	s17 =	sor.u32 @!p1 s18, s17  }
0x38: {  	s18 =	sor.u32 @!p1 s19, s17  }
0x39: {  	s19 =	smulhi.u32 @!p1 $0xA79C7B17, s18;
	_ =	sdelay $0x1  }
0x3a: {  	s17 =	smulhi.u32 @!p1 $0xA79C7B17, s17;
	s19 =	sshrl.u32 @!p1 s19, $0x10  }
0x3b: {  	s19 =	smul.u32 @!p1 $0x18700, s19  }
0x3c: {  	s31 =	sadd.s32 $0xFFFFFFFF, s14;
	s20 =	sxor.u32 @!p1 $0xFFFFFFFF, s14;
	s17 =	sshrl.u32 @!p1 s17, $0x10  }
0x3d: {  	s20 =	sshll.u32 @!p1 s20, $0xE;
	s17 =	sand.u32 @!p1 $0x3FF, s17;
	s18 =	ssub.s32 @!p1 s18, s19  }
0x3e: {  	s17 =	smul.u32 @!p1 $0x30E0, s17;
	s19 =	sshrl.u32 @!p1 s18, $0x3;
	s18 =	sand.u32 @!p1 $0x7, s18  }
0x3f: {  	s20 =	sand.u32 @!p1 $0x4000, s20;
	s19 =	sadd.s32 @!p1 s7, s19;
	s18 =	sshll.u32 @!p1 s18, $0x12  }
0x40: {  	s17 =	sadd.s32 @!p1 s17, s19;
	s18 =	sor.u32 @!p1 $0x400, s18;
	s19 =	simm.s32 @!p1 $0xC3800  }
0x41: {  	[tilespmem:s20], [sflag:$0x1] =	stream.strided.gather @!p1 [hbm4b:s17+s18], $0x4000, s19, s18, $0x38;
	[tilespmem:$0x10100] =	vst v63  }
0x42: {  	p1 =	sge.u32 s31, s6  }
.Ltmp2:
0x43: {  	_ = 	snop;
	(pc) =	sbr.rel @p1 .LBB1_5-.Ltmp2, $1  }
0x44: {  	_ =	sdelay $0x3  }
0x45: {  	s17 =	simm.s32 $0x1  }
0x46: {  	_ =	swait.ge [sflag:s5], $0x4000;
	s17 =	simm.s32 @!p0 $0x0  }
0x47: {  	[sflag:s5] =	ssyncset.done $0x0;
	s18 =	sshll.u32 s17, $0xE  }
0x48: {  	[sflag:s5] =	ssyncadd.s32 $0xFFFFC000;
	s18 =	sor.u32 $0x40, s18  }
0x49: {  	s17 =	smul.u32 $0x10200, s17;
	v0 =	vld [tilespmem:s18+$0x30]  }
0x4a: {  	v1 =	vld [tilespmem:s18+$0xFFFFFFD0]  }
0x4b: {  	s17 =	sshrl.u32 s17, $0x2;
	v5 =	vld [tilespmem:s18+$0xFFFFFFE0]  }
0x4c: {  	v6 =	vld [tilespmem:s18+$0xFFFFFFF0];
	s20 =	sor.u32 $0x8000, s17  }
0x4d: {  	s31 =	sand.u32 $0x1, s14;
	v4 =	vld [tilespmem:s18+$0x0];
	s19 =	sadd.s32 $0x0, s20  }
0x4e: {  	v3 =	vld [tilespmem:s18+$0x10];
	s17 =	smul.u32 $0x10200, s31;
	[tilespmem:s19+$0x3870 ss:$0x81] =	vst.msk $0xffff, v0  }
0x4f: {  	v2 =	vld [tilespmem:s18+$0x20];
	[tilespmem:s19+$0x810 ss:$0x81] =	vst.msk $0xffff, v1  }
0x50: {  	s17 =	sshrl.u32 s17, $0x2;
	v1 =	vld [tilespmem:s18+$0xFFFFFFC0];
	[tilespmem:s19+$0x1020 ss:$0x81] =	vst.msk $0xffff, v5;
	s18 =	sadd.s32 $0x80, s18  }
0x51: {  	s21 =	simm.s32 $0x4;
	s22 =	simm.s32 $0x8;
	s17 =	sor.u32 $0x8000, s17;
	[tilespmem:s19+$0x1830 ss:$0x81] =	vst.msk $0xffff, v6;
	v0 =	vld [tilespmem:s18+$0x30]  }
.LBB1_3:
0x52: {  	p1 =	sne.s32 s22, $0x1FC;
	v5 =	vld [tilespmem:s18+$0xFFFFFFD0];
	[tilespmem:s19+$0x2040 ss:$0x81] =	vst.msk $0xffff, v4  }
0x53: {  	v6 =	vld [tilespmem:s18+$0xFFFFFFE0];
	[tilespmem:s19+$0x2850 ss:$0x81] =	vst.msk $0xffff, v3  }
0x54: {  	s23 =	sshra.s32 s21, $0x2;
	s21 =	smov.u32 s22;
	v7 =	vld [tilespmem:s18+$0xFFFFFFF0];
	[tilespmem:s19+$0x3060 ss:$0x81] =	vst.msk $0xffff, v2  }
.Ltmp3:
0x55: {  	v4 =	vld [tilespmem:s18+$0x0];
	[tilespmem:s19+$0x0 ss:$0x81] =	vst.msk $0xffff, v1;
	s19 =	sadd.s32 s23, s20;
	(pc) =	sbr.rel @p1 .LBB1_3-.Ltmp3, $4  }
0x56: {  	v3 =	vld [tilespmem:s18+$0x10];
	[tilespmem:s19+$0x3870 ss:$0x81] =	vst.msk $0xffff, v0  }
0x57: {  	[tilespmem:s19+$0x810 ss:$0x81] =	vst.msk $0xffff, v5;
	v2 =	vld [tilespmem:s18+$0x20]  }
0x58: {  	v1 =	vld [tilespmem:s18+$0xFFFFFFC0];
	[tilespmem:s19+$0x1020 ss:$0x81] =	vst.msk $0xffff, v6;
	s18 =	sadd.s32 $0x80, s18  }
0x59: {  	s22 =	sadd.s32 $0x4, s22;
	v0 =	vld [tilespmem:s18+$0x30];
	[tilespmem:s19+$0x1830 ss:$0x81] =	vst.msk $0xffff, v7  }
.Ltmp4:
0x5a: {  	_ = 	snop;
	(pc) =	sbr.rel .LBB1_4-.Ltmp4, $1  }
0x5b: {  	_ =	sdelay $0x3  }
.LBB1_6:
0x5c: {  	_ =	sfence.sel $0x180000  }
0x5d: {  	s1 =	simm.s32 $0x1;
	[bflag:$0x0] =	sbarrier.arrive $0xFFFF  }
0x5e: {  	s31 =	simm.s32 $0x2;
	[sflag:s1] =	ssyncpa.u1 $0x1  }
0x5f: {  	[sflag:s31] =	ssyncpa.u1 $0x1  }
0x60: {  	p0 =	sne.s32 s0, $0x0;
	_ =	strace $0x9000004A  }
0x61: {  	s0 =	sadd.s32 @!p0 $0x100000, s2;
	[bflag:$0x2] =	sbarrier.arrive $0xFFFF  }
0x62: {  	[sflag:s0] =	ssyncadd.tile.s32 @!p0 $0x1;
	_ =	shalt  }
.Lfunc_end1:
_tile_overlayer_lowered:
.L_overlay_start_2:
0x63: {  	(tag) =	ssettag $0x2  }
0x64: {  	s0 =	rddreg [dreg:$0x0];
	s2 =	stileid.u32  }
0x65: {  	s1 =	rddreg [dreg:$0x1];
	p0 =	sne.s32 s2, $0x0  }
0x66: {  	s3 =	rddreg [dreg:$0x2];
	[bflag:$0x3] =	sbarrier.arrive $0xFFFF;
	s2 =	simm.s32 @!p0 $0x1C01  }
0x67: {  	[timem:s3], [sflag:s2] =	dma.local @!p0 [hbm:s0], s1  }
0x68: {  	s0 =	simm.s32 @!p0 $0x1  }
0x69: {  	_ =	swait.ge @!p0 [sflag:s0], s1  }
0x6a: {  	s1 =	ssub.s32 @!p0 $0x0, s1;
	[sflag:s0] =	ssyncset.done @!p0 $0x0  }
0x6b: {  	[sflag:s0] =	ssyncadd.s32 @!p0 s1  }
0x6c: {  	[bflag:$0x3] =	sbarrier.arrive $0xFFFF  }
0x6d: {  	_ =	shalt  }

</sc_bundles>
